<compile_context>
chip_gen: v7x
topology: tpu7x:2x2x1
jax: 0.10.2.dev20260603
libtpu: 0.0.44.dev20260713+nightly
codegen_flags: <defaults>
</compile_context>

<pallas_src>
import functools

import jax
import jax.numpy as jnp
from jax import lax
from jax.experimental import pallas as pl
from jax.experimental.pallas import tpu as pltpu
from jax.experimental.pallas import tpu_sc as plsc

def _perm16(v, idx):
    return lax.gather(
        v, idx[:, None],
        lax.GatherDimensionNumbers(offset_dims=(), collapsed_slice_dims=(0,),
                                   start_index_map=(0,)),
        (1,), mode=lax.GatherScatterMode.PROMISE_IN_BOUNDS)


_N = 10000
_NPAD = 10240
_E = 320000
_ETOT = _E + _N
_K = 128
_NTILES = 32
_CH = 81
_EPAD = _NTILES * _CH * _K
_ROWS_PER_TILE = _NPAD // 16
_B = 64


def _proj_body(x_ref, wl_ref, wr_ref, xl_ref, xr_ref):
    xb = x_ref[...]
    xl_ref[...] = jnp.dot(xb, wl_ref[...], preferred_element_type=jnp.float32)
    xr_ref[...] = jnp.dot(xb, wr_ref[...], preferred_element_type=jnp.float32)


def _project(xp, wl, wr):
    din, dout = wl.shape
    return pl.pallas_call(
        _proj_body,
        grid=(10,),
        in_specs=[
            pl.BlockSpec((1024, din), lambda i: (i, 0)),
            pl.BlockSpec((din, dout), lambda i: (0, 0)),
            pl.BlockSpec((din, dout), lambda i: (0, 0)),
        ],
        out_specs=[
            pl.BlockSpec((1024, dout), lambda i: (i, 0)),
            pl.BlockSpec((1024, dout), lambda i: (i, 0)),
        ],
        out_shape=[
            jax.ShapeDtypeStruct((_NPAD, dout), jnp.float32),
            jax.ShapeDtypeStruct((_NPAD, dout), jnp.float32),
        ],
    )(xp, wl, wr)


def _make_edge_kernel(d, nodesplit):
    dw = d + 16
    nj = d // 16
    if nodesplit:
        nl = _NPAD // 2
        nrows = 5248
        ch = _EPAD // (16 * _K)
    else:
        nl = 0
        nrows = _NPAD
        ch = _EPAD // (32 * _K)
    rows_pt = nrows // 16
    mesh = plsc.VectorSubcoreMesh(core_axis_name="c", subcore_axis_name="s")

    @functools.partial(
        pl.kernel,
        mesh=mesh,
        compiler_params=pltpu.CompilerParams(use_tc_tiling_on_sc=False),
        out_type=jax.ShapeDtypeStruct((2 * nrows, dw), jnp.float32),
        scratch_types=[
            pltpu.VMEM((_K,), jnp.int32),
            pltpu.VMEM((_K,), jnp.int32),
            pltpu.VMEM((_K,), jnp.int32),
            pltpu.VMEM((_K, d), jnp.float32),
            pltpu.VMEM((_K, d), jnp.float32),
            pltpu.VMEM((_K, dw), jnp.float32),
            pltpu.VMEM((d,), jnp.float32),
            pltpu.VMEM_SHARED((nrows, dw), jnp.float32),
            pltpu.SemaphoreType.DMA,
        ],
    )
    def k(xl_hbm, xr_hbm, src_hbm, dst_hbm, att_hbm, out_hbm,
          sidx, didx, lidx, a_v, b_v, c_v, att_v, acc, sem):
        cid = lax.axis_index("c")
        sid = lax.axis_index("s")
        zero16 = jnp.zeros((16,), jnp.float32)

        def zrow(r, _):
            for j in range(dw // 16):
                c_v[r, pl.ds(16 * j, 16)] = zero16
            return 0
        lax.fori_loop(0, _K, zrow, 0)

        off = 0
        rem = rows_pt
        while rem > 0:
            sz = min(_K, rem)
            pltpu.sync_copy(c_v.at[pl.ds(0, sz)],
                            acc.at[pl.ds(sid * rows_pt + off, sz)])
            off += sz
            rem -= sz
        plsc.subcore_barrier()

        pltpu.sync_copy(att_hbm, att_v)
        att_regs = [att_v[pl.ds(16 * j, 16)] for j in range(nj)]
        lanes = lax.iota(jnp.int32, 16)
        mask0 = lanes == 0
        perms = [lanes ^ sh for sh in (1, 2, 4, 8)]

        if nodesplit:
            base_t = sid * (ch * _K)
        else:
            base_t = (sid * 2 + cid) * (ch * _K)

        def chunk_body(c, _):
            base = base_t + c * _K
            pltpu.sync_copy(src_hbm.at[pl.ds(base, _K)], sidx)
            pltpu.sync_copy(dst_hbm.at[pl.ds(base, _K)], didx)
            if nodesplit:
                lo = cid * nl
                for i in range(_K // 16):
                    dv = didx[pl.ds(16 * i, 16)]
                    lv = dv - lo
                    inb = (lv >= 0) & (lv < nl)
                    lidx[pl.ds(16 * i, 16)] = jnp.where(inb, lv, nl)
                scatter_idx = lidx
            else:
                scatter_idx = didx
            pltpu.async_copy(xl_hbm.at[sidx], a_v, sem).wait()
            pltpu.async_copy(xr_hbm.at[didx], b_v, sem).wait()

            def edge_body(e, _):
                avs = []
                p = None
                for j in range(nj):
                    av = a_v[e, pl.ds(16 * j, 16)]
                    bv = b_v[e, pl.ds(16 * j, 16)]
                    t = av + bv
                    t = jnp.maximum(t, 0.2 * t)
                    q = t * att_regs[j]
                    p = q if p is None else p + q
                    avs.append(av)
                for pidx in perms:
                    p = p + _perm16(p, pidx)
                wv = jnp.exp(p)
                for j in range(nj):
                    c_v[e, pl.ds(16 * j, 16)] = avs[j] * wv
                c_v[e, pl.ds(d, 16)] = jnp.where(mask0, wv, zero16)
                return 0
            lax.fori_loop(0, _K, edge_body, 0)
            pltpu.sync_copy(c_v, acc.at[scatter_idx], add=True)
            return 0
        lax.fori_loop(0, ch, chunk_body, 0)
        plsc.subcore_barrier()

        pltpu.sync_copy(
            acc.at[pl.ds(sid * rows_pt, rows_pt)],
            out_hbm.at[pl.ds(cid * nrows + sid * rows_pt, rows_pt)])

    return k


_edge128 = _make_edge_kernel(128, nodesplit=True)
_edge32 = _make_edge_kernel(32, nodesplit=False)


def _mid_body(p_ref, b_ref, wl_ref, wr_ref, xl_ref, xr_ref):
    s = p_ref[...]
    den = jnp.maximum(s[:, 128:129], 1e-30)
    h = s[:, :128] / den + b_ref[...]
    h = jnp.where(h > 0, h, jnp.exp(jnp.minimum(h, 0.0)) - 1.0)
    xl_ref[...] = jnp.dot(h, wl_ref[...], preferred_element_type=jnp.float32)
    xr_ref[...] = jnp.dot(h, wr_ref[...], preferred_element_type=jnp.float32)


def _mid(p, b1, wl2, wr2):
    return pl.pallas_call(
        _mid_body,
        grid=(10,),
        in_specs=[
            pl.BlockSpec((1024, 144), lambda i: (i, 0)),
            pl.BlockSpec((1, 128), lambda i: (0, 0)),
            pl.BlockSpec((128, 32), lambda i: (0, 0)),
            pl.BlockSpec((128, 32), lambda i: (0, 0)),
        ],
        out_specs=[
            pl.BlockSpec((1024, 32), lambda i: (i, 0)),
            pl.BlockSpec((1024, 32), lambda i: (i, 0)),
        ],
        out_shape=[
            jax.ShapeDtypeStruct((_NPAD, 32), jnp.float32),
            jax.ShapeDtypeStruct((_NPAD, 32), jnp.float32),
        ],
    )(p, b1, wl2, wr2)


def _head_body(q0_ref, q1_ref, batch_ref, obs_ref, noise_ref, noisy_ref,
               b2_ref, ow1_ref, ob1_ref, ow2_ref, ob2_ref,
               nw_ref, nb_ref, fw1_ref, fb1_ref, fw2_ref, fb2_ref, out_ref):
    s = q0_ref[...] + q1_ref[...]
    den = jnp.maximum(s[:, 32:33], 1e-30)
    h = s[:, :32] / den + b2_ref[...]
    h = jnp.where(h > 0, h, jnp.exp(jnp.minimum(h, 0.0)) - 1.0)

    bt = batch_ref[...]
    gids = lax.broadcasted_iota(jnp.int32, (_NPAD, _B), 1)
    onehot = (bt == gids).astype(jnp.float32)
    sums = lax.dot_general(onehot, h, (((0,), (0,)), ((), ())),
                           preferred_element_type=jnp.float32)
    cnt = jnp.sum(onehot, axis=0)[:, None]
    circ = sums / jnp.maximum(cnt, 1.0)

    obs = obs_ref[...]
    t = jnp.dot(obs, ow1_ref[...], preferred_element_type=jnp.float32)
    t = jnp.maximum(t + ob1_ref[...], 0.0)
    obs_e = jnp.dot(t, ow2_ref[...],
                    preferred_element_type=jnp.float32) + ob2_ref[...]

    noise_e = jnp.dot(noise_ref[...], nw_ref[...],
                      preferred_element_type=jnp.float32) + nb_ref[...]

    noisy = noisy_ref[...]
    comb = jnp.concatenate([circ, obs_e, noise_e, noisy], axis=1)
    u = jnp.dot(comb, fw1_ref[...], preferred_element_type=jnp.float32)
    u = jnp.maximum(u + fb1_ref[...], 0.0)
    corr = jnp.dot(u, fw2_ref[...],
                   preferred_element_type=jnp.float32) + fb2_ref[...]
    out_ref[...] = noisy + corr


def _head(q0, q1, batch2d, obs, noise, noisy, b2,
          ow1, ob1, ow2, ob2, nw, nb, fw1, fb1, fw2, fb2):
    return pl.pallas_call(
        _head_body,
        out_shape=jax.ShapeDtypeStruct((_B, 1), jnp.float32),
    )(q0, q1, batch2d, obs, noise, noisy, b2,
      ow1, ob1, ow2, ob2, nw, nb, fw1, fb1, fw2, fb2)


def kernel(x, edge_index, batch, observable_features, noise_factor, noisy_exp,
           Wl1, Wr1, att1, b1, Wl2, Wr2, att2, b2,
           obs_W1, obs_b1, obs_W2, obs_b2, noise_W, noise_b,
           fus_W1, fus_b1, fus_W2, fus_b2):
    xp = jnp.zeros((_NPAD, 128), jnp.float32).at[:_N].set(x)
    loop = jnp.arange(_N, dtype=jnp.int32)
    pad = jnp.full((_EPAD - _ETOT,), _N, jnp.int32)
    src = jnp.concatenate([edge_index[0].astype(jnp.int32), loop, pad])
    dst = jnp.concatenate([edge_index[1].astype(jnp.int32), loop, pad])

    xl1, xr1 = _project(xp, Wl1, Wr1)
    part1 = _edge128(xl1, xr1, src, dst, att1)
    p1 = jnp.concatenate([part1[:_NPAD // 2], part1[5248:5248 + _NPAD // 2]])
    xl2, xr2 = _mid(p1, b1.reshape(1, 128), Wl2, Wr2)
    part2 = _edge32(xl2, xr2, src, dst, att2)

    batch2d = jnp.concatenate(
        [batch.astype(jnp.int32), jnp.full((_NPAD - _N,), _B, jnp.int32)]
    ).reshape(_NPAD, 1)
    return _head(part2[:_NPAD], part2[_NPAD:], batch2d,
                 observable_features[:, 0, :], noise_factor, noisy_exp,
                 b2.reshape(1, 32),
                 obs_W1, obs_b1.reshape(1, 32), obs_W2, obs_b2.reshape(1, 8),
                 noise_W, noise_b.reshape(1, 4),
                 fus_W1, fus_b1.reshape(1, 256), fus_W2, fus_b2.reshape(1, 1))

# --- scband reference (transcript-rebuilt; emitter-appended) ---
"""Pipeline reference for scband-qerror-mitigation-model-13176959664145 (READ-ONLY COPY).

The authoritative reference and input builder live on the scoring server;
editing this copy changes nothing except your own understanding.
"""

import jax, jax.numpy as jnp
import numpy as np

N = 10000
E = 320000
B = 64
D = 128


def _gatv2(x, src, dst, Wl, Wr, att, bias):
    xl = x @ Wl
    xr = x @ Wr
    h = xl[src] + xr[dst]
    h = jnp.where(h > 0, h, 0.2 * h)  # leaky_relu(0.2)
    logits = h @ att
    m = jax.lax.stop_gradient(jax.ops.segment_max(logits, dst, num_segments=N))
    ex = jnp.exp(logits - m[dst])
    denom = jax.ops.segment_sum(ex, dst, num_segments=N)
    alpha = ex / denom[dst]
    out = jax.ops.segment_sum(alpha[:, None] * xl[src], dst, num_segments=N)
    return out + bias


def setup_inputs(seed: int = 0):
    key = jax.random.key(seed)
    ks = jax.random.split(key, 25)

    def w(k, shape, fan_in):
        return jax.random.uniform(k, shape, jnp.float32, -1.0, 1.0) / np.sqrt(fan_in)

    inp = {}
    inp["x"] = jax.random.normal(ks[0], (N, D), dtype=jnp.float32)
    inp["edge_index"] = jax.random.randint(ks[1], (2, E), 0, N, dtype=jnp.int32)
    inp["batch"] = jnp.sort(jax.random.randint(ks[2], (N,), 0, B, dtype=jnp.int32))
    inp["observable_features"] = jax.random.normal(ks[3], (B, 1, 5), dtype=jnp.float32)
    inp["noise_factor"] = jax.random.uniform(ks[4], (B, 1), dtype=jnp.float32)
    inp["noisy_exp"] = jax.random.normal(ks[5], (B, 1), dtype=jnp.float32)
    # GATv2 layer 1: 128 -> 128
    inp["Wl1"] = w(ks[6], (D, 128), D)
    inp["Wr1"] = w(ks[7], (D, 128), D)
    inp["att1"] = w(ks[8], (128,), 128)
    inp["b1"] = jnp.zeros((128,), jnp.float32)
    # GATv2 layer 2: 128 -> 32
    inp["Wl2"] = w(ks[9], (128, 32), 128)
    inp["Wr2"] = w(ks[10], (128, 32), 128)
    inp["att2"] = w(ks[11], (32,), 32)
    inp["b2"] = jnp.zeros((32,), jnp.float32)
    # obs encoder: 5 -> 32 -> 8
    inp["obs_W1"] = w(ks[12], (5, 32), 5)
    inp["obs_b1"] = jnp.zeros((32,), jnp.float32)
    inp["obs_W2"] = w(ks[13], (32, 8), 32)
    inp["obs_b2"] = jnp.zeros((8,), jnp.float32)
    # noise encoder: 1 -> 4
    inp["noise_W"] = w(ks[14], (1, 4), 1)
    inp["noise_b"] = jnp.zeros((4,), jnp.float32)
    # fusion: 45 -> 256 -> 1
    inp["fus_W1"] = w(ks[15], (45, 256), 45)
    inp["fus_b1"] = jnp.zeros((256,), jnp.float32)
    inp["fus_W2"] = w(ks[16], (256, 1), 256)
    inp["fus_b2"] = jnp.zeros((1,), jnp.float32)
    return inp


def reference(x, edge_index, batch, observable_features, noise_factor, noisy_exp,
              Wl1, Wr1, att1, b1, Wl2, Wr2, att2, b2,
              obs_W1, obs_b1, obs_W2, obs_b2, noise_W, noise_b,
              fus_W1, fus_b1, fus_W2, fus_b2):
    loop = jnp.arange(N, dtype=edge_index.dtype)
    src = jnp.concatenate([edge_index[0], loop])  # add_self_loops=True (GATv2Conv default)
    dst = jnp.concatenate([edge_index[1], loop])

    h = _gatv2(x, src, dst, Wl1, Wr1, att1, b1)
    h = jax.nn.elu(h)
    h = _gatv2(h, src, dst, Wl2, Wr2, att2, b2)
    h = jax.nn.elu(h)

    # global_mean_pool
    sums = jax.ops.segment_sum(h, batch, num_segments=B)
    counts = jax.ops.segment_sum(jnp.ones((N,), jnp.float32), batch, num_segments=B)
    circuit_embedding = sums / jnp.maximum(counts, 1.0)[:, None]

    obs = observable_features.squeeze(1)
    obs_embedding = jax.nn.relu(obs @ obs_W1 + obs_b1) @ obs_W2 + obs_b2
    noise_embedding = noise_factor @ noise_W + noise_b

    combined = jnp.concatenate([circuit_embedding, obs_embedding, noise_embedding, noisy_exp], axis=1)
    correction = jax.nn.relu(combined @ fus_W1 + fus_b1) @ fus_W2 + fus_b2  # dropout is eval-mode identity
    return noisy_exp + correction

if __name__ == "__main__":
    import jax
    _d = setup_inputs()
    print(jax.jit(kernel)(*tuple(_d.values())))

</pallas_src>

<mosaic_0001>
#map = affine_map<(d0, d1) -> (0, 0)>
#map1 = affine_map<(d0, d1) -> (0)>
module attributes {stable_mosaic.version = 14 : i64} {
  func.func @k(%arg0: i32, %arg1: i32, %arg2: memref<10240x128xf32, #tpu.memory_space<hbm>>, %arg3: memref<10240x128xf32, #tpu.memory_space<hbm>>, %arg4: memref<331776xi32, #tpu.memory_space<hbm>>, %arg5: memref<331776xi32, #tpu.memory_space<hbm>>, %arg6: memref<128xf32, #tpu.memory_space<hbm>>, %arg7: memref<10496x144xf32, #tpu.memory_space<hbm>>, %arg8: memref<128xi32, #tpu.memory_space<vmem>>, %arg9: memref<128xi32, #tpu.memory_space<vmem>>, %arg10: memref<128xi32, #tpu.memory_space<vmem>>, %arg11: memref<128x128xf32, #tpu.memory_space<vmem>>, %arg12: memref<128x128xf32, #tpu.memory_space<vmem>>, %arg13: memref<128x144xf32, #tpu.memory_space<vmem>>, %arg14: memref<128xf32, #tpu.memory_space<vmem>>, %arg15: memref<5248x144xf32, #tpu.memory_space<vmem_shared>>, %arg16: memref<!tpu.dma_semaphore, #tpu.memory_space<semaphore_mem>>) attributes {dimension_semantics = [#tpu.dimension_semantics<core_parallel>, #tpu.dimension_semantics<subcore_parallel>], iteration_bounds = array<i64: 2, 16>, scalar_prefetch = 0 : i64, scratch_operands = 9 : i64, tpu.core_type = #tpu.core_type<sc_vector_subcore>, window_params = [{transform_indices = #map}, {transform_indices = #map}, {transform_indices = #map1}, {transform_indices = #map1}, {transform_indices = #map1}, {transform_indices = #map}]} {
    %broadcast_in_dim3A = arith.constant 0.000000e+00 : f32
    %broadcast_in_dim3A_0 = vector.broadcast %broadcast_in_dim3A : f32 to vector<16xf32>
    %scan3A = arith.constant 0 : i32
    %scan3A_1 = arith.constant 0 : i32
    %scan3A_2 = arith.constant 128 : i32
    %scan3A_3 = arith.addi %scan3A_1, %scan3A_2 : i32
    %scan3A_4 = arith.constant 1 : i32
    %scan3A_5 = scf.for %scan3A_70 = %scan3A_1 to %scan3A_3 step %scan3A_4 iter_args(%scan3A_71 = %scan3A) -> (i32)  : i32 {
      %swap3A = arith.index_cast %scan3A_70 : i32 to index
      %swap3A_72 = arith.constant 0 : index
      %swap3A_73 = tpu.vector_load %arg13[%swap3A, %swap3A_72] {strides = array<i32>} : memref<128x144xf32, #tpu.memory_space<vmem>>, vector<1x16xf32>,
      %swap3A_74 = vector.shape_cast %swap3A_73 : vector<1x16xf32> to vector<16xf32>
      %swap3A_75 = vector.shape_cast %broadcast_in_dim3A_0 : vector<16xf32> to vector<1x16xf32>
      tpu.vector_store %arg13[%swap3A, %swap3A_72], %swap3A_75 {strides = array<i32>} : memref<128x144xf32, #tpu.memory_space<vmem>>, vector<1x16xf32>,
      %swap3A_76 = arith.index_cast %scan3A_70 : i32 to index
      %swap3A_77 = arith.constant 16 : index
      %swap3A_78 = tpu.vector_load %arg13[%swap3A_76, %swap3A_77] {strides = array<i32>} : memref<128x144xf32, #tpu.memory_space<vmem>>, vector<1x16xf32>,
      %swap3A_79 = vector.shape_cast %swap3A_78 : vector<1x16xf32> to vector<16xf32>
      %swap3A_80 = vector.shape_cast %broadcast_in_dim3A_0 : vector<16xf32> to vector<1x16xf32>
      tpu.vector_store %arg13[%swap3A_76, %swap3A_77], %swap3A_80 {strides = array<i32>} : memref<128x144xf32, #tpu.memory_space<vmem>>, vector<1x16xf32>,
      %swap3A_81 = arith.index_cast %scan3A_70 : i32 to index
      %swap3A_82 = arith.constant 32 : index
      %swap3A_83 = tpu.vector_load %arg13[%swap3A_81, %swap3A_82] {strides = array<i32>} : memref<128x144xf32, #tpu.memory_space<vmem>>, vector<1x16xf32>,
      %swap3A_84 = vector.shape_cast %swap3A_83 : vector<1x16xf32> to vector<16xf32>
      %swap3A_85 = vector.shape_cast %broadcast_in_dim3A_0 : vector<16xf32> to vector<1x16xf32>
      tpu.vector_store %arg13[%swap3A_81, %swap3A_82], %swap3A_85 {strides = array<i32>} : memref<128x144xf32, #tpu.memory_space<vmem>>, vector<1x16xf32>,
      %swap3A_86 = arith.index_cast %scan3A_70 : i32 to index
      %swap3A_87 = arith.constant 48 : index
      %swap3A_88 = tpu.vector_load %arg13[%swap3A_86, %swap3A_87] {strides = array<i32>} : memref<128x144xf32, #tpu.memory_space<vmem>>, vector<1x16xf32>,
      %swap3A_89 = vector.shape_cast %swap3A_88 : vector<1x16xf32> to vector<16xf32>
      %swap3A_90 = vector.shape_cast %broadcast_in_dim3A_0 : vector<16xf32> to vector<1x16xf32>
      tpu.vector_store %arg13[%swap3A_86, %swap3A_87], %swap3A_90 {strides = array<i32>} : memref<128x144xf32, #tpu.memory_space<vmem>>, vector<1x16xf32>,
      %swap3A_91 = arith.index_cast %scan3A_70 : i32 to index
      %swap3A_92 = arith.constant 64 : index
      %swap3A_93 = tpu.vector_load %arg13[%swap3A_91, %swap3A_92] {strides = array<i32>} : memref<128x144xf32, #tpu.memory_space<vmem>>, vector<1x16xf32>,
      %swap3A_94 = vector.shape_cast %swap3A_93 : vector<1x16xf32> to vector<16xf32>
      %swap3A_95 = vector.shape_cast %broadcast_in_dim3A_0 : vector<16xf32> to vector<1x16xf32>
      tpu.vector_store %arg13[%swap3A_91, %swap3A_92], %swap3A_95 {strides = array<i32>} : memref<128x144xf32, #tpu.memory_space<vmem>>, vector<1x16xf32>,
      %swap3A_96 = arith.index_cast %scan3A_70 : i32 to index
      %swap3A_97 = arith.constant 80 : index
      %swap3A_98 = tpu.vector_load %arg13[%swap3A_96, %swap3A_97] {strides = array<i32>} : memref<128x144xf32, #tpu.memory_space<vmem>>, vector<1x16xf32>,
      %swap3A_99 = vector.shape_cast %swap3A_98 : vector<1x16xf32> to vector<16xf32>
      %swap3A_100 = vector.shape_cast %broadcast_in_dim3A_0 : vector<16xf32> to vector<1x16xf32>
      tpu.vector_store %arg13[%swap3A_96, %swap3A_97], %swap3A_100 {strides = array<i32>} : memref<128x144xf32, #tpu.memory_space<vmem>>, vector<1x16xf32>,
      %swap3A_101 = arith.index_cast %scan3A_70 : i32 to index
      %swap3A_102 = arith.constant 96 : index
      %swap3A_103 = tpu.vector_load %arg13[%swap3A_101, %swap3A_102] {strides = array<i32>} : memref<128x144xf32, #tpu.memory_space<vmem>>, vector<1x16xf32>,
      %swap3A_104 = vector.shape_cast %swap3A_103 : vector<1x16xf32> to vector<16xf32>
      %swap3A_105 = vector.shape_cast %broadcast_in_dim3A_0 : vector<16xf32> to vector<1x16xf32>
      tpu.vector_store %arg13[%swap3A_101, %swap3A_102], %swap3A_105 {strides = array<i32>} : memref<128x144xf32, #tpu.memory_space<vmem>>, vector<1x16xf32>,
      %swap3A_106 = arith.index_cast %scan3A_70 : i32 to index
      %swap3A_107 = arith.constant 112 : index
      %swap3A_108 = tpu.vector_load %arg13[%swap3A_106, %swap3A_107] {strides = array<i32>} : memref<128x144xf32, #tpu.memory_space<vmem>>, vector<1x16xf32>,
      %swap3A_109 = vector.shape_cast %swap3A_108 : vector<1x16xf32> to vector<16xf32>
      %swap3A_110 = vector.shape_cast %broadcast_in_dim3A_0 : vector<16xf32> to vector<1x16xf32>
      tpu.vector_store %arg13[%swap3A_106, %swap3A_107], %swap3A_110 {strides = array<i32>} : memref<128x144xf32, #tpu.memory_space<vmem>>, vector<1x16xf32>,
      %swap3A_111 = arith.index_cast %scan3A_70 : i32 to index
      %swap3A_112 = arith.constant 128 : index
      %swap3A_113 = tpu.vector_load %arg13[%swap3A_111, %swap3A_112] {strides = array<i32>} : memref<128x144xf32, #tpu.memory_space<vmem>>, vector<1x16xf32>,
      %swap3A_114 = vector.shape_cast %swap3A_113 : vector<1x16xf32> to vector<16xf32>
      %swap3A_115 = vector.shape_cast %broadcast_in_dim3A_0 : vector<16xf32> to vector<1x16xf32>
      tpu.vector_store %arg13[%swap3A_111, %swap3A_112], %swap3A_115 {strides = array<i32>} : memref<128x144xf32, #tpu.memory_space<vmem>>, vector<1x16xf32>,
      %scan3A_116 = arith.constant 0 : i32
      scf.yield %scan3A_116 : i32
    }
    %scan3A_6 = arith.constant 128 : i32
    %mul3A = arith.constant 328 : i32
    %mul3A_7 = arith.muli %arg1, %mul3A : i32
    %add3A = arith.constant 0 : i32
    %add3A_8 = arith.addi %mul3A_7, %add3A : i32
    "tpu.region"() ({
      %run_scoped3A = tpu.sem_alloc : memref<!tpu.dma_semaphore, #tpu.memory_space<semaphore_mem>>
      %dma_start3A = arith.constant 0 : i32
      %dma_start3A_70 = arith.constant 0 : i32
      %dma_start3A_71 = tpu.memref_slice %arg13[%dma_start3A, %dma_start3A_70] : memref<128x144xf32, #tpu.memory_space<vmem>> -> memref<128x144xf32, #tpu.memory_space<vmem>>
      %dma_start3A_72 = arith.constant 0 : i32
      %dma_start3A_73 = tpu.memref_slice %arg15[%add3A_8, %dma_start3A_72] : memref<5248x144xf32, #tpu.memory_space<vmem_shared>> -> memref<128x144xf32, #tpu.memory_space<vmem_shared>>
      %dma_start3A_74 = arith.constant 0 : i32
      %dma_start3A_75 = tpu.memref_slice %arg15[%add3A_8, %dma_start3A_74] : memref<5248x144xf32, #tpu.memory_space<vmem_shared>> -> memref<128x144xf32, #tpu.memory_space<vmem_shared>>
      %dma_start3A_76 = arith.constant 0 : i32
      %dma_start3A_77 = arith.constant 0 : i32
      %dma_start3A_78 = tpu.memref_slice %arg13[%dma_start3A_76, %dma_start3A_77] : memref<128x144xf32, #tpu.memory_space<vmem>> -> memref<128x144xf32, #tpu.memory_space<vmem>>
      tpu.enqueue_dma source(%dma_start3A_78 : memref<128x144xf32, #tpu.memory_space<vmem>>) target(%dma_start3A_75 : memref<128x144xf32, #tpu.memory_space<vmem_shared>>) target_semaphore(%run_scoped3A : memref<!tpu.dma_semaphore, #tpu.memory_space<semaphore_mem>>)
      %dma_wait3A = arith.constant 0 : i32
      %dma_wait3A_79 = arith.constant 0 : i32
      %dma_wait3A_80 = tpu.memref_slice %arg13[%dma_wait3A, %dma_wait3A_79] : memref<128x144xf32, #tpu.memory_space<vmem>> -> memref<128x144xf32, #tpu.memory_space<vmem>>
      %dma_wait3A_81 = arith.constant 0 : i32
      %dma_wait3A_82 = tpu.memref_slice %arg15[%add3A_8, %dma_wait3A_81] : memref<5248x144xf32, #tpu.memory_space<vmem_shared>> -> memref<128x144xf32, #tpu.memory_space<vmem_shared>>
      %dma_wait3A_83 = arith.constant 0 : i32
      %dma_wait3A_84 = tpu.memref_slice %arg15[%add3A_8, %dma_wait3A_83] : memref<5248x144xf32, #tpu.memory_space<vmem_shared>> -> memref<128x144xf32, #tpu.memory_space<vmem_shared>>
      %dma_wait3A_85 = arith.constant 0 : i32
      %dma_wait3A_86 = arith.constant 0 : i32
      %dma_wait3A_87 = tpu.memref_slice %arg13[%dma_wait3A_85, %dma_wait3A_86] : memref<128x144xf32, #tpu.memory_space<vmem>> -> memref<128x144xf32, #tpu.memory_space<vmem>>
      tpu.wait_dma2 semaphore(%run_scoped3A : memref<!tpu.dma_semaphore, #tpu.memory_space<semaphore_mem>>) src(%dma_wait3A_87 : memref<128x144xf32, #tpu.memory_space<vmem>>) dst(%dma_wait3A_84 : memref<128x144xf32, #tpu.memory_space<vmem_shared>>)
      tpu.yield
    }) : () -> ()
    %mul3A_9 = arith.constant 328 : i32
    %mul3A_10 = arith.muli %arg1, %mul3A_9 : i32
    %add3A_11 = arith.constant 128 : i32
    %add3A_12 = arith.addi %mul3A_10, %add3A_11 : i32
    "tpu.region"() ({
      %run_scoped3A = tpu.sem_alloc : memref<!tpu.dma_semaphore, #tpu.memory_space<semaphore_mem>>
      %dma_start3A = arith.constant 0 : i32
      %dma_start3A_70 = arith.constant 0 : i32
      %dma_start3A_71 = tpu.memref_slice %arg13[%dma_start3A, %dma_start3A_70] : memref<128x144xf32, #tpu.memory_space<vmem>> -> memref<128x144xf32, #tpu.memory_space<vmem>>
      %dma_start3A_72 = arith.constant 0 : i32
      %dma_start3A_73 = tpu.memref_slice %arg15[%add3A_12, %dma_start3A_72] : memref<5248x144xf32, #tpu.memory_space<vmem_shared>> -> memref<128x144xf32, #tpu.memory_space<vmem_shared>>
      %dma_start3A_74 = arith.constant 0 : i32
      %dma_start3A_75 = tpu.memref_slice %arg15[%add3A_12, %dma_start3A_74] : memref<5248x144xf32, #tpu.memory_space<vmem_shared>> -> memref<128x144xf32, #tpu.memory_space<vmem_shared>>
      %dma_start3A_76 = arith.constant 0 : i32
      %dma_start3A_77 = arith.constant 0 : i32
      %dma_start3A_78 = tpu.memref_slice %arg13[%dma_start3A_76, %dma_start3A_77] : memref<128x144xf32, #tpu.memory_space<vmem>> -> memref<128x144xf32, #tpu.memory_space<vmem>>
      tpu.enqueue_dma source(%dma_start3A_78 : memref<128x144xf32, #tpu.memory_space<vmem>>) target(%dma_start3A_75 : memref<128x144xf32, #tpu.memory_space<vmem_shared>>) target_semaphore(%run_scoped3A : memref<!tpu.dma_semaphore, #tpu.memory_space<semaphore_mem>>)
      %dma_wait3A = arith.constant 0 : i32
      %dma_wait3A_79 = arith.constant 0 : i32
      %dma_wait3A_80 = tpu.memref_slice %arg13[%dma_wait3A, %dma_wait3A_79] : memref<128x144xf32, #tpu.memory_space<vmem>> -> memref<128x144xf32, #tpu.memory_space<vmem>>
      %dma_wait3A_81 = arith.constant 0 : i32
      %dma_wait3A_82 = tpu.memref_slice %arg15[%add3A_12, %dma_wait3A_81] : memref<5248x144xf32, #tpu.memory_space<vmem_shared>> -> memref<128x144xf32, #tpu.memory_space<vmem_shared>>
      %dma_wait3A_83 = arith.constant 0 : i32
      %dma_wait3A_84 = tpu.memref_slice %arg15[%add3A_12, %dma_wait3A_83] : memref<5248x144xf32, #tpu.memory_space<vmem_shared>> -> memref<128x144xf32, #tpu.memory_space<vmem_shared>>
      %dma_wait3A_85 = arith.constant 0 : i32
      %dma_wait3A_86 = arith.constant 0 : i32
      %dma_wait3A_87 = tpu.memref_slice %arg13[%dma_wait3A_85, %dma_wait3A_86] : memref<128x144xf32, #tpu.memory_space<vmem>> -> memref<128x144xf32, #tpu.memory_space<vmem>>
      tpu.wait_dma2 semaphore(%run_scoped3A : memref<!tpu.dma_semaphore, #tpu.memory_space<semaphore_mem>>) src(%dma_wait3A_87 : memref<128x144xf32, #tpu.memory_space<vmem>>) dst(%dma_wait3A_84 : memref<128x144xf32, #tpu.memory_space<vmem_shared>>)
      tpu.yield
    }) : () -> ()
    %mul3A_13 = arith.constant 328 : i32
    %mul3A_14 = arith.muli %arg1, %mul3A_13 : i32
    %add3A_15 = arith.constant 256 : i32
    %add3A_16 = arith.addi %mul3A_14, %add3A_15 : i32
    "tpu.region"() ({
      %run_scoped3A = tpu.sem_alloc : memref<!tpu.dma_semaphore, #tpu.memory_space<semaphore_mem>>
      %dma_start3A = arith.constant 0 : i32
      %dma_start3A_70 = arith.constant 0 : i32
      %dma_start3A_71 = tpu.memref_slice %arg13[%dma_start3A, %dma_start3A_70] : memref<128x144xf32, #tpu.memory_space<vmem>> -> memref<72x144xf32, #tpu.memory_space<vmem>>
      %dma_start3A_72 = arith.constant 0 : i32
      %dma_start3A_73 = tpu.memref_slice %arg15[%add3A_16, %dma_start3A_72] : memref<5248x144xf32, #tpu.memory_space<vmem_shared>> -> memref<72x144xf32, #tpu.memory_space<vmem_shared>>
      %dma_start3A_74 = arith.constant 0 : i32
      %dma_start3A_75 = tpu.memref_slice %arg15[%add3A_16, %dma_start3A_74] : memref<5248x144xf32, #tpu.memory_space<vmem_shared>> -> memref<72x144xf32, #tpu.memory_space<vmem_shared>>
      %dma_start3A_76 = arith.constant 0 : i32
      %dma_start3A_77 = arith.constant 0 : i32
      %dma_start3A_78 = tpu.memref_slice %arg13[%dma_start3A_76, %dma_start3A_77] : memref<128x144xf32, #tpu.memory_space<vmem>> -> memref<72x144xf32, #tpu.memory_space<vmem>>
      tpu.enqueue_dma source(%dma_start3A_78 : memref<72x144xf32, #tpu.memory_space<vmem>>) target(%dma_start3A_75 : memref<72x144xf32, #tpu.memory_space<vmem_shared>>) target_semaphore(%run_scoped3A : memref<!tpu.dma_semaphore, #tpu.memory_space<semaphore_mem>>)
      %dma_wait3A = arith.constant 0 : i32
      %dma_wait3A_79 = arith.constant 0 : i32
      %dma_wait3A_80 = tpu.memref_slice %arg13[%dma_wait3A, %dma_wait3A_79] : memref<128x144xf32, #tpu.memory_space<vmem>> -> memref<72x144xf32, #tpu.memory_space<vmem>>
      %dma_wait3A_81 = arith.constant 0 : i32
      %dma_wait3A_82 = tpu.memref_slice %arg15[%add3A_16, %dma_wait3A_81] : memref<5248x144xf32, #tpu.memory_space<vmem_shared>> -> memref<72x144xf32, #tpu.memory_space<vmem_shared>>
      %dma_wait3A_83 = arith.constant 0 : i32
      %dma_wait3A_84 = tpu.memref_slice %arg15[%add3A_16, %dma_wait3A_83] : memref<5248x144xf32, #tpu.memory_space<vmem_shared>> -> memref<72x144xf32, #tpu.memory_space<vmem_shared>>
      %dma_wait3A_85 = arith.constant 0 : i32
      %dma_wait3A_86 = arith.constant 0 : i32
      %dma_wait3A_87 = tpu.memref_slice %arg13[%dma_wait3A_85, %dma_wait3A_86] : memref<128x144xf32, #tpu.memory_space<vmem>> -> memref<72x144xf32, #tpu.memory_space<vmem>>
      tpu.wait_dma2 semaphore(%run_scoped3A : memref<!tpu.dma_semaphore, #tpu.memory_space<semaphore_mem>>) src(%dma_wait3A_87 : memref<72x144xf32, #tpu.memory_space<vmem>>) dst(%dma_wait3A_84 : memref<72x144xf32, #tpu.memory_space<vmem_shared>>)
      tpu.yield
    }) : () -> ()
    %barrier3A = arith.constant 0 : index
    tpu.barrier barrier_id(%barrier3A)
    "tpu.region"() ({
      %run_scoped3A = tpu.sem_alloc : memref<!tpu.dma_semaphore, #tpu.memory_space<semaphore_mem>>
      tpu.enqueue_dma source(%arg6 : memref<128xf32, #tpu.memory_space<hbm>>) target(%arg14 : memref<128xf32, #tpu.memory_space<vmem>>) target_semaphore(%run_scoped3A : memref<!tpu.dma_semaphore, #tpu.memory_space<semaphore_mem>>)
      tpu.wait_dma2 semaphore(%run_scoped3A : memref<!tpu.dma_semaphore, #tpu.memory_space<semaphore_mem>>) src(%arg6 : memref<128xf32, #tpu.memory_space<hbm>>) dst(%arg14 : memref<128xf32, #tpu.memory_space<vmem>>)
      tpu.yield
    }) : () -> ()
    %get3A = arith.constant 0 : index
    %get3A_17 = tpu.vector_load %arg14[%get3A] {strides = array<i32>} : memref<128xf32, #tpu.memory_space<vmem>>, vector<16xf32>,
    %get3A_18 = vector.shape_cast %get3A_17 : vector<16xf32> to vector<16xf32>
    %get3A_19 = arith.constant 16 : index
    %get3A_20 = tpu.vector_load %arg14[%get3A_19] {strides = array<i32>} : memref<128xf32, #tpu.memory_space<vmem>>, vector<16xf32>,
    %get3A_21 = vector.shape_cast %get3A_20 : vector<16xf32> to vector<16xf32>
    %get3A_22 = arith.constant 32 : index
    %get3A_23 = tpu.vector_load %arg14[%get3A_22] {strides = array<i32>} : memref<128xf32, #tpu.memory_space<vmem>>, vector<16xf32>,
    %get3A_24 = vector.shape_cast %get3A_23 : vector<16xf32> to vector<16xf32>
    %get3A_25 = arith.constant 48 : index
    %get3A_26 = tpu.vector_load %arg14[%get3A_25] {strides = array<i32>} : memref<128xf32, #tpu.memory_space<vmem>>, vector<16xf32>,
    %get3A_27 = vector.shape_cast %get3A_26 : vector<16xf32> to vector<16xf32>
    %get3A_28 = arith.constant 64 : index
    %get3A_29 = tpu.vector_load %arg14[%get3A_28] {strides = array<i32>} : memref<128xf32, #tpu.memory_space<vmem>>, vector<16xf32>,
    %get3A_30 = vector.shape_cast %get3A_29 : vector<16xf32> to vector<16xf32>
    %get3A_31 = arith.constant 80 : index
    %get3A_32 = tpu.vector_load %arg14[%get3A_31] {strides = array<i32>} : memref<128xf32, #tpu.memory_space<vmem>>, vector<16xf32>,
    %get3A_33 = vector.shape_cast %get3A_32 : vector<16xf32> to vector<16xf32>
    %get3A_34 = arith.constant 96 : index
    %get3A_35 = tpu.vector_load %arg14[%get3A_34] {strides = array<i32>} : memref<128xf32, #tpu.memory_space<vmem>>, vector<16xf32>,
    %get3A_36 = vector.shape_cast %get3A_35 : vector<16xf32> to vector<16xf32>
    %get3A_37 = arith.constant 112 : index
    %get3A_38 = tpu.vector_load %arg14[%get3A_37] {strides = array<i32>} : memref<128xf32, #tpu.memory_space<vmem>>, vector<16xf32>,
    %get3A_39 = vector.shape_cast %get3A_38 : vector<16xf32> to vector<16xf32>
    %iota3A = tpu.iota {dimensions = array<i32: 0>} : vector<16xi32>
    %eq3A = arith.constant 0 : i32
    %eq3A_40 = vector.broadcast %eq3A : i32 to vector<16xi32>
    %eq3A_41 = arith.cmpi eq, %iota3A, %eq3A_40 : vector<16xi32>
    %xor3A = arith.constant 1 : i32
    %xor3A_42 = vector.broadcast %xor3A : i32 to vector<16xi32>
    %xor3A_43 = arith.xori %iota3A, %xor3A_42 : vector<16xi32>
    %xor3A_44 = arith.constant 2 : i32
    %xor3A_45 = vector.broadcast %xor3A_44 : i32 to vector<16xi32>
    %xor3A_46 = arith.xori %iota3A, %xor3A_45 : vector<16xi32>
    %xor3A_47 = arith.constant 4 : i32
    %xor3A_48 = vector.broadcast %xor3A_47 : i32 to vector<16xi32>
    %xor3A_49 = arith.xori %iota3A, %xor3A_48 : vector<16xi32>
    %xor3A_50 = arith.constant 8 : i32
    %xor3A_51 = vector.broadcast %xor3A_50 : i32 to vector<16xi32>
    %xor3A_52 = arith.xori %iota3A, %xor3A_51 : vector<16xi32>
    %mul3A_53 = arith.constant 20736 : i32
    %mul3A_54 = arith.muli %arg1, %mul3A_53 : i32
    %scan3A_55 = arith.constant 0 : i32
    %scan3A_56 = arith.constant 0 : i32
    %scan3A_57 = arith.constant 162 : i32
    %scan3A_58 = arith.addi %scan3A_56, %scan3A_57 : i32
    %scan3A_59 = arith.constant 1 : i32
    %scan3A_60 = scf.for %scan3A_70 = %scan3A_56 to %scan3A_58 step %scan3A_59 iter_args(%scan3A_71 = %scan3A_55) -> (i32)  : i32 {
      %mul3A_72 = arith.constant 128 : i32
      %mul3A_73 = arith.muli %scan3A_70, %mul3A_72 : i32
      %add3A_74 = arith.addi %mul3A_54, %mul3A_73 : i32
      "tpu.region"() ({
        %run_scoped3A = tpu.sem_alloc : memref<!tpu.dma_semaphore, #tpu.memory_space<semaphore_mem>>
        %dma_start3A_240 = tpu.memref_slice %arg4[%add3A_74] : memref<331776xi32, #tpu.memory_space<hbm>> -> memref<128xi32, #tpu.memory_space<hbm>>
        %dma_start3A_241 = tpu.memref_slice %arg4[%add3A_74] : memref<331776xi32, #tpu.memory_space<hbm>> -> memref<128xi32, #tpu.memory_space<hbm>>
        tpu.enqueue_dma source(%dma_start3A_241 : memref<128xi32, #tpu.memory_space<hbm>>) target(%arg8 : memref<128xi32, #tpu.memory_space<vmem>>) target_semaphore(%run_scoped3A : memref<!tpu.dma_semaphore, #tpu.memory_space<semaphore_mem>>)
        %dma_wait3A_242 = tpu.memref_slice %arg4[%add3A_74] : memref<331776xi32, #tpu.memory_space<hbm>> -> memref<128xi32, #tpu.memory_space<hbm>>
        %dma_wait3A_243 = tpu.memref_slice %arg4[%add3A_74] : memref<331776xi32, #tpu.memory_space<hbm>> -> memref<128xi32, #tpu.memory_space<hbm>>
        tpu.wait_dma2 semaphore(%run_scoped3A : memref<!tpu.dma_semaphore, #tpu.memory_space<semaphore_mem>>) src(%dma_wait3A_243 : memref<128xi32, #tpu.memory_space<hbm>>) dst(%arg8 : memref<128xi32, #tpu.memory_space<vmem>>)
        tpu.yield
      }) : () -> ()
      "tpu.region"() ({
        %run_scoped3A = tpu.sem_alloc : memref<!tpu.dma_semaphore, #tpu.memory_space<semaphore_mem>>
        %dma_start3A_240 = tpu.memref_slice %arg5[%add3A_74] : memref<331776xi32, #tpu.memory_space<hbm>> -> memref<128xi32, #tpu.memory_space<hbm>>
        %dma_start3A_241 = tpu.memref_slice %arg5[%add3A_74] : memref<331776xi32, #tpu.memory_space<hbm>> -> memref<128xi32, #tpu.memory_space<hbm>>
        tpu.enqueue_dma source(%dma_start3A_241 : memref<128xi32, #tpu.memory_space<hbm>>) target(%arg9 : memref<128xi32, #tpu.memory_space<vmem>>) target_semaphore(%run_scoped3A : memref<!tpu.dma_semaphore, #tpu.memory_space<semaphore_mem>>)
        %dma_wait3A_242 = tpu.memref_slice %arg5[%add3A_74] : memref<331776xi32, #tpu.memory_space<hbm>> -> memref<128xi32, #tpu.memory_space<hbm>>
        %dma_wait3A_243 = tpu.memref_slice %arg5[%add3A_74] : memref<331776xi32, #tpu.memory_space<hbm>> -> memref<128xi32, #tpu.memory_space<hbm>>
        tpu.wait_dma2 semaphore(%run_scoped3A : memref<!tpu.dma_semaphore, #tpu.memory_space<semaphore_mem>>) src(%dma_wait3A_243 : memref<128xi32, #tpu.memory_space<hbm>>) dst(%arg9 : memref<128xi32, #tpu.memory_space<vmem>>)
        tpu.yield
      }) : () -> ()
      %mul3A_75 = arith.constant 5120 : i32
      %mul3A_76 = arith.muli %arg0, %mul3A_75 : i32
      %get3A_77 = arith.constant 0 : index
      %get3A_78 = tpu.vector_load %arg9[%get3A_77] {strides = array<i32>} : memref<128xi32, #tpu.memory_space<vmem>>, vector<16xi32>,
      %get3A_79 = vector.shape_cast %get3A_78 : vector<16xi32> to vector<16xi32>
      %sub3A = vector.broadcast %mul3A_76 : i32 to vector<16xi32>
      %sub3A_80 = arith.subi %get3A_79, %sub3A : vector<16xi32>
      %ge3A = arith.constant 0 : i32
      %ge3A_81 = vector.broadcast %ge3A : i32 to vector<16xi32>
      %ge3A_82 = arith.cmpi sge, %sub3A_80, %ge3A_81 : vector<16xi32>
      %lt3A = arith.constant 5120 : i32
      %lt3A_83 = vector.broadcast %lt3A : i32 to vector<16xi32>
      %lt3A_84 = arith.cmpi slt, %sub3A_80, %lt3A_83 : vector<16xi32>
      %and3A = arith.andi %ge3A_82, %lt3A_84 : vector<16xi1>
      %jit3A = arith.constant 5120 : i32
      %broadcast_in_dim3A_85 = vector.broadcast %jit3A : i32 to vector<16xi32>
      %select_n3A = arith.select %and3A, %sub3A_80, %broadcast_in_dim3A_85 : vector<16xi1>, vector<16xi32>
      %swap3A = arith.constant 0 : index
      %swap3A_86 = tpu.vector_load %arg10[%swap3A] {strides = array<i32>} : memref<128xi32, #tpu.memory_space<vmem>>, vector<16xi32>,
      %swap3A_87 = vector.shape_cast %swap3A_86 : vector<16xi32> to vector<16xi32>
      %swap3A_88 = vector.shape_cast %select_n3A : vector<16xi32> to vector<16xi32>
      tpu.vector_store %arg10[%swap3A], %swap3A_88 {strides = array<i32>} : memref<128xi32, #tpu.memory_space<vmem>>, vector<16xi32>,
      %get3A_89 = arith.constant 16 : index
      %get3A_90 = tpu.vector_load %arg9[%get3A_89] {strides = array<i32>} : memref<128xi32, #tpu.memory_space<vmem>>, vector<16xi32>,
      %get3A_91 = vector.shape_cast %get3A_90 : vector<16xi32> to vector<16xi32>
      %sub3A_92 = vector.broadcast %mul3A_76 : i32 to vector<16xi32>
      %sub3A_93 = arith.subi %get3A_91, %sub3A_92 : vector<16xi32>
      %ge3A_94 = arith.constant 0 : i32
      %ge3A_95 = vector.broadcast %ge3A_94 : i32 to vector<16xi32>
      %ge3A_96 = arith.cmpi sge, %sub3A_93, %ge3A_95 : vector<16xi32>
      %lt3A_97 = arith.constant 5120 : i32
      %lt3A_98 = vector.broadcast %lt3A_97 : i32 to vector<16xi32>
      %lt3A_99 = arith.cmpi slt, %sub3A_93, %lt3A_98 : vector<16xi32>
      %and3A_100 = arith.andi %ge3A_96, %lt3A_99 : vector<16xi1>
      %jit3A_101 = arith.constant 5120 : i32
      %broadcast_in_dim3A_102 = vector.broadcast %jit3A_101 : i32 to vector<16xi32>
      %select_n3A_103 = arith.select %and3A_100, %sub3A_93, %broadcast_in_dim3A_102 : vector<16xi1>, vector<16xi32>
      %swap3A_104 = arith.constant 16 : index
      %swap3A_105 = tpu.vector_load %arg10[%swap3A_104] {strides = array<i32>} : memref<128xi32, #tpu.memory_space<vmem>>, vector<16xi32>,
      %swap3A_106 = vector.shape_cast %swap3A_105 : vector<16xi32> to vector<16xi32>
      %swap3A_107 = vector.shape_cast %select_n3A_103 : vector<16xi32> to vector<16xi32>
      tpu.vector_store %arg10[%swap3A_104], %swap3A_107 {strides = array<i32>} : memref<128xi32, #tpu.memory_space<vmem>>, vector<16xi32>,
      %get3A_108 = arith.constant 32 : index
      %get3A_109 = tpu.vector_load %arg9[%get3A_108] {strides = array<i32>} : memref<128xi32, #tpu.memory_space<vmem>>, vector<16xi32>,
      %get3A_110 = vector.shape_cast %get3A_109 : vector<16xi32> to vector<16xi32>
      %sub3A_111 = vector.broadcast %mul3A_76 : i32 to vector<16xi32>
      %sub3A_112 = arith.subi %get3A_110, %sub3A_111 : vector<16xi32>
      %ge3A_113 = arith.constant 0 : i32
      %ge3A_114 = vector.broadcast %ge3A_113 : i32 to vector<16xi32>
      %ge3A_115 = arith.cmpi sge, %sub3A_112, %ge3A_114 : vector<16xi32>
      %lt3A_116 = arith.constant 5120 : i32
      %lt3A_117 = vector.broadcast %lt3A_116 : i32 to vector<16xi32>
      %lt3A_118 = arith.cmpi slt, %sub3A_112, %lt3A_117 : vector<16xi32>
      %and3A_119 = arith.andi %ge3A_115, %lt3A_118 : vector<16xi1>
      %jit3A_120 = arith.constant 5120 : i32
      %broadcast_in_dim3A_121 = vector.broadcast %jit3A_120 : i32 to vector<16xi32>
      %select_n3A_122 = arith.select %and3A_119, %sub3A_112, %broadcast_in_dim3A_121 : vector<16xi1>, vector<16xi32>
      %swap3A_123 = arith.constant 32 : index
      %swap3A_124 = tpu.vector_load %arg10[%swap3A_123] {strides = array<i32>} : memref<128xi32, #tpu.memory_space<vmem>>, vector<16xi32>,
      %swap3A_125 = vector.shape_cast %swap3A_124 : vector<16xi32> to vector<16xi32>
      %swap3A_126 = vector.shape_cast %select_n3A_122 : vector<16xi32> to vector<16xi32>
      tpu.vector_store %arg10[%swap3A_123], %swap3A_126 {strides = array<i32>} : memref<128xi32, #tpu.memory_space<vmem>>, vector<16xi32>,
      %get3A_127 = arith.constant 48 : index
      %get3A_128 = tpu.vector_load %arg9[%get3A_127] {strides = array<i32>} : memref<128xi32, #tpu.memory_space<vmem>>, vector<16xi32>,
      %get3A_129 = vector.shape_cast %get3A_128 : vector<16xi32> to vector<16xi32>
      %sub3A_130 = vector.broadcast %mul3A_76 : i32 to vector<16xi32>
      %sub3A_131 = arith.subi %get3A_129, %sub3A_130 : vector<16xi32>
      %ge3A_132 = arith.constant 0 : i32
      %ge3A_133 = vector.broadcast %ge3A_132 : i32 to vector<16xi32>
      %ge3A_134 = arith.cmpi sge, %sub3A_131, %ge3A_133 : vector<16xi32>
      %lt3A_135 = arith.constant 5120 : i32
      %lt3A_136 = vector.broadcast %lt3A_135 : i32 to vector<16xi32>
      %lt3A_137 = arith.cmpi slt, %sub3A_131, %lt3A_136 : vector<16xi32>
      %and3A_138 = arith.andi %ge3A_134, %lt3A_137 : vector<16xi1>
      %jit3A_139 = arith.constant 5120 : i32
      %broadcast_in_dim3A_140 = vector.broadcast %jit3A_139 : i32 to vector<16xi32>
      %select_n3A_141 = arith.select %and3A_138, %sub3A_131, %broadcast_in_dim3A_140 : vector<16xi1>, vector<16xi32>
      %swap3A_142 = arith.constant 48 : index
      %swap3A_143 = tpu.vector_load %arg10[%swap3A_142] {strides = array<i32>} : memref<128xi32, #tpu.memory_space<vmem>>, vector<16xi32>,
      %swap3A_144 = vector.shape_cast %swap3A_143 : vector<16xi32> to vector<16xi32>
      %swap3A_145 = vector.shape_cast %select_n3A_141 : vector<16xi32> to vector<16xi32>
      tpu.vector_store %arg10[%swap3A_142], %swap3A_145 {strides = array<i32>} : memref<128xi32, #tpu.memory_space<vmem>>, vector<16xi32>,
      %get3A_146 = arith.constant 64 : index
      %get3A_147 = tpu.vector_load %arg9[%get3A_146] {strides = array<i32>} : memref<128xi32, #tpu.memory_space<vmem>>, vector<16xi32>,
      %get3A_148 = vector.shape_cast %get3A_147 : vector<16xi32> to vector<16xi32>
      %sub3A_149 = vector.broadcast %mul3A_76 : i32 to vector<16xi32>
      %sub3A_150 = arith.subi %get3A_148, %sub3A_149 : vector<16xi32>
      %ge3A_151 = arith.constant 0 : i32
      %ge3A_152 = vector.broadcast %ge3A_151 : i32 to vector<16xi32>
      %ge3A_153 = arith.cmpi sge, %sub3A_150, %ge3A_152 : vector<16xi32>
      %lt3A_154 = arith.constant 5120 : i32
      %lt3A_155 = vector.broadcast %lt3A_154 : i32 to vector<16xi32>
      %lt3A_156 = arith.cmpi slt, %sub3A_150, %lt3A_155 : vector<16xi32>
      %and3A_157 = arith.andi %ge3A_153, %lt3A_156 : vector<16xi1>
      %jit3A_158 = arith.constant 5120 : i32
      %broadcast_in_dim3A_159 = vector.broadcast %jit3A_158 : i32 to vector<16xi32>
      %select_n3A_160 = arith.select %and3A_157, %sub3A_150, %broadcast_in_dim3A_159 : vector<16xi1>, vector<16xi32>
      %swap3A_161 = arith.constant 64 : index
      %swap3A_162 = tpu.vector_load %arg10[%swap3A_161] {strides = array<i32>} : memref<128xi32, #tpu.memory_space<vmem>>, vector<16xi32>,
      %swap3A_163 = vector.shape_cast %swap3A_162 : vector<16xi32> to vector<16xi32>
      %swap3A_164 = vector.shape_cast %select_n3A_160 : vector<16xi32> to vector<16xi32>
      tpu.vector_store %arg10[%swap3A_161], %swap3A_164 {strides = array<i32>} : memref<128xi32, #tpu.memory_space<vmem>>, vector<16xi32>,
      %get3A_165 = arith.constant 80 : index
      %get3A_166 = tpu.vector_load %arg9[%get3A_165] {strides = array<i32>} : memref<128xi32, #tpu.memory_space<vmem>>, vector<16xi32>,
      %get3A_167 = vector.shape_cast %get3A_166 : vector<16xi32> to vector<16xi32>
      %sub3A_168 = vector.broadcast %mul3A_76 : i32 to vector<16xi32>
      %sub3A_169 = arith.subi %get3A_167, %sub3A_168 : vector<16xi32>
      %ge3A_170 = arith.constant 0 : i32
      %ge3A_171 = vector.broadcast %ge3A_170 : i32 to vector<16xi32>
      %ge3A_172 = arith.cmpi sge, %sub3A_169, %ge3A_171 : vector<16xi32>
      %lt3A_173 = arith.constant 5120 : i32
      %lt3A_174 = vector.broadcast %lt3A_173 : i32 to vector<16xi32>
      %lt3A_175 = arith.cmpi slt, %sub3A_169, %lt3A_174 : vector<16xi32>
      %and3A_176 = arith.andi %ge3A_172, %lt3A_175 : vector<16xi1>
      %jit3A_177 = arith.constant 5120 : i32
      %broadcast_in_dim3A_178 = vector.broadcast %jit3A_177 : i32 to vector<16xi32>
      %select_n3A_179 = arith.select %and3A_176, %sub3A_169, %broadcast_in_dim3A_178 : vector<16xi1>, vector<16xi32>
      %swap3A_180 = arith.constant 80 : index
      %swap3A_181 = tpu.vector_load %arg10[%swap3A_180] {strides = array<i32>} : memref<128xi32, #tpu.memory_space<vmem>>, vector<16xi32>,
      %swap3A_182 = vector.shape_cast %swap3A_181 : vector<16xi32> to vector<16xi32>
      %swap3A_183 = vector.shape_cast %select_n3A_179 : vector<16xi32> to vector<16xi32>
      tpu.vector_store %arg10[%swap3A_180], %swap3A_183 {strides = array<i32>} : memref<128xi32, #tpu.memory_space<vmem>>, vector<16xi32>,
      %get3A_184 = arith.constant 96 : index
      %get3A_185 = tpu.vector_load %arg9[%get3A_184] {strides = array<i32>} : memref<128xi32, #tpu.memory_space<vmem>>, vector<16xi32>,
      %get3A_186 = vector.shape_cast %get3A_185 : vector<16xi32> to vector<16xi32>
      %sub3A_187 = vector.broadcast %mul3A_76 : i32 to vector<16xi32>
      %sub3A_188 = arith.subi %get3A_186, %sub3A_187 : vector<16xi32>
      %ge3A_189 = arith.constant 0 : i32
      %ge3A_190 = vector.broadcast %ge3A_189 : i32 to vector<16xi32>
      %ge3A_191 = arith.cmpi sge, %sub3A_188, %ge3A_190 : vector<16xi32>
      %lt3A_192 = arith.constant 5120 : i32
      %lt3A_193 = vector.broadcast %lt3A_192 : i32 to vector<16xi32>
      %lt3A_194 = arith.cmpi slt, %sub3A_188, %lt3A_193 : vector<16xi32>
      %and3A_195 = arith.andi %ge3A_191, %lt3A_194 : vector<16xi1>
      %jit3A_196 = arith.constant 5120 : i32
      %broadcast_in_dim3A_197 = vector.broadcast %jit3A_196 : i32 to vector<16xi32>
      %select_n3A_198 = arith.select %and3A_195, %sub3A_188, %broadcast_in_dim3A_197 : vector<16xi1>, vector<16xi32>
      %swap3A_199 = arith.constant 96 : index
      %swap3A_200 = tpu.vector_load %arg10[%swap3A_199] {strides = array<i32>} : memref<128xi32, #tpu.memory_space<vmem>>, vector<16xi32>,
      %swap3A_201 = vector.shape_cast %swap3A_200 : vector<16xi32> to vector<16xi32>
      %swap3A_202 = vector.shape_cast %select_n3A_198 : vector<16xi32> to vector<16xi32>
      tpu.vector_store %arg10[%swap3A_199], %swap3A_202 {strides = array<i32>} : memref<128xi32, #tpu.memory_space<vmem>>, vector<16xi32>,
      %get3A_203 = arith.constant 112 : index
      %get3A_204 = tpu.vector_load %arg9[%get3A_203] {strides = array<i32>} : memref<128xi32, #tpu.memory_space<vmem>>, vector<16xi32>,
      %get3A_205 = vector.shape_cast %get3A_204 : vector<16xi32> to vector<16xi32>
      %sub3A_206 = vector.broadcast %mul3A_76 : i32 to vector<16xi32>
      %sub3A_207 = arith.subi %get3A_205, %sub3A_206 : vector<16xi32>
      %ge3A_208 = arith.constant 0 : i32
      %ge3A_209 = vector.broadcast %ge3A_208 : i32 to vector<16xi32>
      %ge3A_210 = arith.cmpi sge, %sub3A_207, %ge3A_209 : vector<16xi32>
      %lt3A_211 = arith.constant 5120 : i32
      %lt3A_212 = vector.broadcast %lt3A_211 : i32 to vector<16xi32>
      %lt3A_213 = arith.cmpi slt, %sub3A_207, %lt3A_212 : vector<16xi32>
      %and3A_214 = arith.andi %ge3A_210, %lt3A_213 : vector<16xi1>
      %jit3A_215 = arith.constant 5120 : i32
      %broadcast_in_dim3A_216 = vector.broadcast %jit3A_215 : i32 to vector<16xi32>
      %select_n3A_217 = arith.select %and3A_214, %sub3A_207, %broadcast_in_dim3A_216 : vector<16xi1>, vector<16xi32>
      %swap3A_218 = arith.constant 112 : index
      %swap3A_219 = tpu.vector_load %arg10[%swap3A_218] {strides = array<i32>} : memref<128xi32, #tpu.memory_space<vmem>>, vector<16xi32>,
      %swap3A_220 = vector.shape_cast %swap3A_219 : vector<16xi32> to vector<16xi32>
      %swap3A_221 = vector.shape_cast %select_n3A_217 : vector<16xi32> to vector<16xi32>
      tpu.vector_store %arg10[%swap3A_218], %swap3A_221 {strides = array<i32>} : memref<128xi32, #tpu.memory_space<vmem>>, vector<16xi32>,
      %dma_start3A = arith.constant 0 : i32
      %dma_start3A_222 = arith.constant 0 : i32
      %dma_start3A_223 = tpu.memref_slice %arg2[%dma_start3A, %dma_start3A_222] : memref<10240x128xf32, #tpu.memory_space<hbm>> -> memref<10240x128xf32, #tpu.memory_space<hbm>>
      tpu.enqueue_indirect_dma source(%dma_start3A_223 : memref<10240x128xf32, #tpu.memory_space<hbm>>) target(%arg11 : memref<128x128xf32, #tpu.memory_space<vmem>>) offsets(%arg8 : memref<128xi32, #tpu.memory_space<vmem>>) semaphore(%arg16 : memref<!tpu.dma_semaphore, #tpu.memory_space<semaphore_mem>>)
      %dma_wait3A = arith.constant 0 : i32
      %dma_wait3A_224 = arith.constant 0 : i32
      %dma_wait3A_225 = tpu.memref_slice %arg2[%dma_wait3A, %dma_wait3A_224] : memref<10240x128xf32, #tpu.memory_space<hbm>> -> memref<10240x128xf32, #tpu.memory_space<hbm>>
      tpu.wait_indirect_dma semaphore(%arg16 : memref<!tpu.dma_semaphore, #tpu.memory_space<semaphore_mem>>) src(%dma_wait3A_225 : memref<10240x128xf32, #tpu.memory_space<hbm>>) dst(%arg11 : memref<128x128xf32, #tpu.memory_space<vmem>>)
      %dma_start3A_226 = arith.constant 0 : i32
      %dma_start3A_227 = arith.constant 0 : i32
      %dma_start3A_228 = tpu.memref_slice %arg3[%dma_start3A_226, %dma_start3A_227] : memref<10240x128xf32, #tpu.memory_space<hbm>> -> memref<10240x128xf32, #tpu.memory_space<hbm>>
      tpu.enqueue_indirect_dma source(%dma_start3A_228 : memref<10240x128xf32, #tpu.memory_space<hbm>>) target(%arg12 : memref<128x128xf32, #tpu.memory_space<vmem>>) offsets(%arg9 : memref<128xi32, #tpu.memory_space<vmem>>) semaphore(%arg16 : memref<!tpu.dma_semaphore, #tpu.memory_space<semaphore_mem>>)
      %dma_wait3A_229 = arith.constant 0 : i32
      %dma_wait3A_230 = arith.constant 0 : i32
      %dma_wait3A_231 = tpu.memref_slice %arg3[%dma_wait3A_229, %dma_wait3A_230] : memref<10240x128xf32, #tpu.memory_space<hbm>> -> memref<10240x128xf32, #tpu.memory_space<hbm>>
      tpu.wait_indirect_dma semaphore(%arg16 : memref<!tpu.dma_semaphore, #tpu.memory_space<semaphore_mem>>) src(%dma_wait3A_231 : memref<10240x128xf32, #tpu.memory_space<hbm>>) dst(%arg12 : memref<128x128xf32, #tpu.memory_space<vmem>>)
      %scan3A_232 = arith.constant 0 : i32
      %scan3A_233 = arith.constant 0 : i32
      %scan3A_234 = arith.constant 128 : i32
      %scan3A_235 = arith.addi %scan3A_233, %scan3A_234 : i32
      %scan3A_236 = arith.constant 1 : i32
      %scan3A_237 = scf.for %scan3A_240 = %scan3A_233 to %scan3A_235 step %scan3A_236 iter_args(%scan3A_241 = %scan3A_232) -> (i32)  : i32 {
        %get3A_242 = arith.index_cast %scan3A_240 : i32 to index
        %get3A_243 = arith.constant 0 : index
        %get3A_244 = tpu.vector_load %arg11[%get3A_242, %get3A_243] {strides = array<i32>} : memref<128x128xf32, #tpu.memory_space<vmem>>, vector<1x16xf32>,
        %get3A_245 = vector.shape_cast %get3A_244 : vector<1x16xf32> to vector<16xf32>
        %get3A_246 = arith.index_cast %scan3A_240 : i32 to index
        %get3A_247 = arith.constant 0 : index
        %get3A_248 = tpu.vector_load %arg12[%get3A_246, %get3A_247] {strides = array<i32>} : memref<128x128xf32, #tpu.memory_space<vmem>>, vector<1x16xf32>,
        %get3A_249 = vector.shape_cast %get3A_248 : vector<1x16xf32> to vector<16xf32>
        %add3A_250 = arith.addf %get3A_245, %get3A_249 : vector<16xf32>
        %mul3A_251 = arith.constant 2.000000e-01 : f32
        %mul3A_252 = vector.broadcast %mul3A_251 : f32 to vector<16xf32>
        %mul3A_253 = arith.mulf %mul3A_252, %add3A_250 : vector<16xf32>
        %max3A = arith.maximumf %add3A_250, %mul3A_253 : vector<16xf32>
        %mul3A_254 = arith.mulf %max3A, %get3A_18 : vector<16xf32>
        %get3A_255 = arith.index_cast %scan3A_240 : i32 to index
        %get3A_256 = arith.constant 16 : index
        %get3A_257 = tpu.vector_load %arg11[%get3A_255, %get3A_256] {strides = array<i32>} : memref<128x128xf32, #tpu.memory_space<vmem>>, vector<1x16xf32>,
        %get3A_258 = vector.shape_cast %get3A_257 : vector<1x16xf32> to vector<16xf32>
        %get3A_259 = arith.index_cast %scan3A_240 : i32 to index
        %get3A_260 = arith.constant 16 : index
        %get3A_261 = tpu.vector_load %arg12[%get3A_259, %get3A_260] {strides = array<i32>} : memref<128x128xf32, #tpu.memory_space<vmem>>, vector<1x16xf32>,
        %get3A_262 = vector.shape_cast %get3A_261 : vector<1x16xf32> to vector<16xf32>
        %add3A_263 = arith.addf %get3A_258, %get3A_262 : vector<16xf32>
        %mul3A_264 = arith.constant 2.000000e-01 : f32
        %mul3A_265 = vector.broadcast %mul3A_264 : f32 to vector<16xf32>
        %mul3A_266 = arith.mulf %mul3A_265, %add3A_263 : vector<16xf32>
        %max3A_267 = arith.maximumf %add3A_263, %mul3A_266 : vector<16xf32>
        %mul3A_268 = arith.mulf %max3A_267, %get3A_21 : vector<16xf32>
        %add3A_269 = arith.addf %mul3A_254, %mul3A_268 : vector<16xf32>
        %get3A_270 = arith.index_cast %scan3A_240 : i32 to index
        %get3A_271 = arith.constant 32 : index
        %get3A_272 = tpu.vector_load %arg11[%get3A_270, %get3A_271] {strides = array<i32>} : memref<128x128xf32, #tpu.memory_space<vmem>>, vector<1x16xf32>,
        %get3A_273 = vector.shape_cast %get3A_272 : vector<1x16xf32> to vector<16xf32>
        %get3A_274 = arith.index_cast %scan3A_240 : i32 to index
        %get3A_275 = arith.constant 32 : index
        %get3A_276 = tpu.vector_load %arg12[%get3A_274, %get3A_275] {strides = array<i32>} : memref<128x128xf32, #tpu.memory_space<vmem>>, vector<1x16xf32>,
        %get3A_277 = vector.shape_cast %get3A_276 : vector<1x16xf32> to vector<16xf32>
        %add3A_278 = arith.addf %get3A_273, %get3A_277 : vector<16xf32>
        %mul3A_279 = arith.constant 2.000000e-01 : f32
        %mul3A_280 = vector.broadcast %mul3A_279 : f32 to vector<16xf32>
        %mul3A_281 = arith.mulf %mul3A_280, %add3A_278 : vector<16xf32>
        %max3A_282 = arith.maximumf %add3A_278, %mul3A_281 : vector<16xf32>
        %mul3A_283 = arith.mulf %max3A_282, %get3A_24 : vector<16xf32>
        %add3A_284 = arith.addf %add3A_269, %mul3A_283 : vector<16xf32>
        %get3A_285 = arith.index_cast %scan3A_240 : i32 to index
        %get3A_286 = arith.constant 48 : index
        %get3A_287 = tpu.vector_load %arg11[%get3A_285, %get3A_286] {strides = array<i32>} : memref<128x128xf32, #tpu.memory_space<vmem>>, vector<1x16xf32>,
        %get3A_288 = vector.shape_cast %get3A_287 : vector<1x16xf32> to vector<16xf32>
        %get3A_289 = arith.index_cast %scan3A_240 : i32 to index
        %get3A_290 = arith.constant 48 : index
        %get3A_291 = tpu.vector_load %arg12[%get3A_289, %get3A_290] {strides = array<i32>} : memref<128x128xf32, #tpu.memory_space<vmem>>, vector<1x16xf32>,
        %get3A_292 = vector.shape_cast %get3A_291 : vector<1x16xf32> to vector<16xf32>
        %add3A_293 = arith.addf %get3A_288, %get3A_292 : vector<16xf32>
        %mul3A_294 = arith.constant 2.000000e-01 : f32
        %mul3A_295 = vector.broadcast %mul3A_294 : f32 to vector<16xf32>
        %mul3A_296 = arith.mulf %mul3A_295, %add3A_293 : vector<16xf32>
        %max3A_297 = arith.maximumf %add3A_293, %mul3A_296 : vector<16xf32>
        %mul3A_298 = arith.mulf %max3A_297, %get3A_27 : vector<16xf32>
        %add3A_299 = arith.addf %add3A_284, %mul3A_298 : vector<16xf32>
        %get3A_300 = arith.index_cast %scan3A_240 : i32 to index
        %get3A_301 = arith.constant 64 : index
        %get3A_302 = tpu.vector_load %arg11[%get3A_300, %get3A_301] {strides = array<i32>} : memref<128x128xf32, #tpu.memory_space<vmem>>, vector<1x16xf32>,
        %get3A_303 = vector.shape_cast %get3A_302 : vector<1x16xf32> to vector<16xf32>
        %get3A_304 = arith.index_cast %scan3A_240 : i32 to index
        %get3A_305 = arith.constant 64 : index
        %get3A_306 = tpu.vector_load %arg12[%get3A_304, %get3A_305] {strides = array<i32>} : memref<128x128xf32, #tpu.memory_space<vmem>>, vector<1x16xf32>,
        %get3A_307 = vector.shape_cast %get3A_306 : vector<1x16xf32> to vector<16xf32>
        %add3A_308 = arith.addf %get3A_303, %get3A_307 : vector<16xf32>
        %mul3A_309 = arith.constant 2.000000e-01 : f32
        %mul3A_310 = vector.broadcast %mul3A_309 : f32 to vector<16xf32>
        %mul3A_311 = arith.mulf %mul3A_310, %add3A_308 : vector<16xf32>
        %max3A_312 = arith.maximumf %add3A_308, %mul3A_311 : vector<16xf32>
        %mul3A_313 = arith.mulf %max3A_312, %get3A_30 : vector<16xf32>
        %add3A_314 = arith.addf %add3A_299, %mul3A_313 : vector<16xf32>
        %get3A_315 = arith.index_cast %scan3A_240 : i32 to index
        %get3A_316 = arith.constant 80 : index
        %get3A_317 = tpu.vector_load %arg11[%get3A_315, %get3A_316] {strides = array<i32>} : memref<128x128xf32, #tpu.memory_space<vmem>>, vector<1x16xf32>,
        %get3A_318 = vector.shape_cast %get3A_317 : vector<1x16xf32> to vector<16xf32>
        %get3A_319 = arith.index_cast %scan3A_240 : i32 to index
        %get3A_320 = arith.constant 80 : index
        %get3A_321 = tpu.vector_load %arg12[%get3A_319, %get3A_320] {strides = array<i32>} : memref<128x128xf32, #tpu.memory_space<vmem>>, vector<1x16xf32>,
        %get3A_322 = vector.shape_cast %get3A_321 : vector<1x16xf32> to vector<16xf32>
        %add3A_323 = arith.addf %get3A_318, %get3A_322 : vector<16xf32>
        %mul3A_324 = arith.constant 2.000000e-01 : f32
        %mul3A_325 = vector.broadcast %mul3A_324 : f32 to vector<16xf32>
        %mul3A_326 = arith.mulf %mul3A_325, %add3A_323 : vector<16xf32>
        %max3A_327 = arith.maximumf %add3A_323, %mul3A_326 : vector<16xf32>
        %mul3A_328 = arith.mulf %max3A_327, %get3A_33 : vector<16xf32>
        %add3A_329 = arith.addf %add3A_314, %mul3A_328 : vector<16xf32>
        %get3A_330 = arith.index_cast %scan3A_240 : i32 to index
        %get3A_331 = arith.constant 96 : index
        %get3A_332 = tpu.vector_load %arg11[%get3A_330, %get3A_331] {strides = array<i32>} : memref<128x128xf32, #tpu.memory_space<vmem>>, vector<1x16xf32>,
        %get3A_333 = vector.shape_cast %get3A_332 : vector<1x16xf32> to vector<16xf32>
        %get3A_334 = arith.index_cast %scan3A_240 : i32 to index
        %get3A_335 = arith.constant 96 : index
        %get3A_336 = tpu.vector_load %arg12[%get3A_334, %get3A_335] {strides = array<i32>} : memref<128x128xf32, #tpu.memory_space<vmem>>, vector<1x16xf32>,
        %get3A_337 = vector.shape_cast %get3A_336 : vector<1x16xf32> to vector<16xf32>
        %add3A_338 = arith.addf %get3A_333, %get3A_337 : vector<16xf32>
        %mul3A_339 = arith.constant 2.000000e-01 : f32
        %mul3A_340 = vector.broadcast %mul3A_339 : f32 to vector<16xf32>
        %mul3A_341 = arith.mulf %mul3A_340, %add3A_338 : vector<16xf32>
        %max3A_342 = arith.maximumf %add3A_338, %mul3A_341 : vector<16xf32>
        %mul3A_343 = arith.mulf %max3A_342, %get3A_36 : vector<16xf32>
        %add3A_344 = arith.addf %add3A_329, %mul3A_343 : vector<16xf32>
        %get3A_345 = arith.index_cast %scan3A_240 : i32 to index
        %get3A_346 = arith.constant 112 : index
        %get3A_347 = tpu.vector_load %arg11[%get3A_345, %get3A_346] {strides = array<i32>} : memref<128x128xf32, #tpu.memory_space<vmem>>, vector<1x16xf32>,
        %get3A_348 = vector.shape_cast %get3A_347 : vector<1x16xf32> to vector<16xf32>
        %get3A_349 = arith.index_cast %scan3A_240 : i32 to index
        %get3A_350 = arith.constant 112 : index
        %get3A_351 = tpu.vector_load %arg12[%get3A_349, %get3A_350] {strides = array<i32>} : memref<128x128xf32, #tpu.memory_space<vmem>>, vector<1x16xf32>,
        %get3A_352 = vector.shape_cast %get3A_351 : vector<1x16xf32> to vector<16xf32>
        %add3A_353 = arith.addf %get3A_348, %get3A_352 : vector<16xf32>
        %mul3A_354 = arith.constant 2.000000e-01 : f32
        %mul3A_355 = vector.broadcast %mul3A_354 : f32 to vector<16xf32>
        %mul3A_356 = arith.mulf %mul3A_355, %add3A_353 : vector<16xf32>
        %max3A_357 = arith.maximumf %add3A_353, %mul3A_356 : vector<16xf32>
        %mul3A_358 = arith.mulf %max3A_357, %get3A_39 : vector<16xf32>
        %add3A_359 = arith.addf %add3A_344, %mul3A_358 : vector<16xf32>
        %broadcast_in_dim3A_360 = vector.shape_cast %xor3A_43 : vector<16xi32> to vector<16x1xi32>
        %gather3A = vector.shape_cast %broadcast_in_dim3A_360 : vector<16x1xi32> to vector<16xi32>
        %gather3A_361 = tpu.dynamic_gather %add3A_359[%gather3A] in [0] : vector<16xf32>, vector<16xi32> -> vector<16xf32>
        %add3A_362 = arith.addf %add3A_359, %gather3A_361 : vector<16xf32>
        %broadcast_in_dim3A_363 = vector.shape_cast %xor3A_46 : vector<16xi32> to vector<16x1xi32>
        %gather3A_364 = vector.shape_cast %broadcast_in_dim3A_363 : vector<16x1xi32> to vector<16xi32>
        %gather3A_365 = tpu.dynamic_gather %add3A_362[%gather3A_364] in [0] : vector<16xf32>, vector<16xi32> -> vector<16xf32>
        %add3A_366 = arith.addf %add3A_362, %gather3A_365 : vector<16xf32>
        %broadcast_in_dim3A_367 = vector.shape_cast %xor3A_49 : vector<16xi32> to vector<16x1xi32>
        %gather3A_368 = vector.shape_cast %broadcast_in_dim3A_367 : vector<16x1xi32> to vector<16xi32>
        %gather3A_369 = tpu.dynamic_gather %add3A_366[%gather3A_368] in [0] : vector<16xf32>, vector<16xi32> -> vector<16xf32>
        %add3A_370 = arith.addf %add3A_366, %gather3A_369 : vector<16xf32>
        %broadcast_in_dim3A_371 = vector.shape_cast %xor3A_52 : vector<16xi32> to vector<16x1xi32>
        %gather3A_372 = vector.shape_cast %broadcast_in_dim3A_371 : vector<16x1xi32> to vector<16xi32>
        %gather3A_373 = tpu.dynamic_gather %add3A_370[%gather3A_372] in [0] : vector<16xf32>, vector<16xi32> -> vector<16xf32>
        %add3A_374 = arith.addf %add3A_370, %gather3A_373 : vector<16xf32>
        %exp3A = math.exp %add3A_374 : vector<16xf32>
        %mul3A_375 = arith.mulf %get3A_245, %exp3A : vector<16xf32>
        %swap3A_376 = arith.index_cast %scan3A_240 : i32 to index
        %swap3A_377 = arith.constant 0 : index
        %swap3A_378 = tpu.vector_load %arg13[%swap3A_376, %swap3A_377] {strides = array<i32>} : memref<128x144xf32, #tpu.memory_space<vmem>>, vector<1x16xf32>,
        %swap3A_379 = vector.shape_cast %swap3A_378 : vector<1x16xf32> to vector<16xf32>
        %swap3A_380 = vector.shape_cast %mul3A_375 : vector<16xf32> to vector<1x16xf32>
        tpu.vector_store %arg13[%swap3A_376, %swap3A_377], %swap3A_380 {strides = array<i32>} : memref<128x144xf32, #tpu.memory_space<vmem>>, vector<1x16xf32>,
        %mul3A_381 = arith.mulf %get3A_258, %exp3A : vector<16xf32>
        %swap3A_382 = arith.index_cast %scan3A_240 : i32 to index
        %swap3A_383 = arith.constant 16 : index
        %swap3A_384 = tpu.vector_load %arg13[%swap3A_382, %swap3A_383] {strides = array<i32>} : memref<128x144xf32, #tpu.memory_space<vmem>>, vector<1x16xf32>,
        %swap3A_385 = vector.shape_cast %swap3A_384 : vector<1x16xf32> to vector<16xf32>
        %swap3A_386 = vector.shape_cast %mul3A_381 : vector<16xf32> to vector<1x16xf32>
        tpu.vector_store %arg13[%swap3A_382, %swap3A_383], %swap3A_386 {strides = array<i32>} : memref<128x144xf32, #tpu.memory_space<vmem>>, vector<1x16xf32>,
        %mul3A_387 = arith.mulf %get3A_273, %exp3A : vector<16xf32>
        %swap3A_388 = arith.index_cast %scan3A_240 : i32 to index
        %swap3A_389 = arith.constant 32 : index
        %swap3A_390 = tpu.vector_load %arg13[%swap3A_388, %swap3A_389] {strides = array<i32>} : memref<128x144xf32, #tpu.memory_space<vmem>>, vector<1x16xf32>,
        %swap3A_391 = vector.shape_cast %swap3A_390 : vector<1x16xf32> to vector<16xf32>
        %swap3A_392 = vector.shape_cast %mul3A_387 : vector<16xf32> to vector<1x16xf32>
        tpu.vector_store %arg13[%swap3A_388, %swap3A_389], %swap3A_392 {strides = array<i32>} : memref<128x144xf32, #tpu.memory_space<vmem>>, vector<1x16xf32>,
        %mul3A_393 = arith.mulf %get3A_288, %exp3A : vector<16xf32>
        %swap3A_394 = arith.index_cast %scan3A_240 : i32 to index
        %swap3A_395 = arith.constant 48 : index
        %swap3A_396 = tpu.vector_load %arg13[%swap3A_394, %swap3A_395] {strides = array<i32>} : memref<128x144xf32, #tpu.memory_space<vmem>>, vector<1x16xf32>,
        %swap3A_397 = vector.shape_cast %swap3A_396 : vector<1x16xf32> to vector<16xf32>
        %swap3A_398 = vector.shape_cast %mul3A_393 : vector<16xf32> to vector<1x16xf32>
        tpu.vector_store %arg13[%swap3A_394, %swap3A_395], %swap3A_398 {strides = array<i32>} : memref<128x144xf32, #tpu.memory_space<vmem>>, vector<1x16xf32>,
        %mul3A_399 = arith.mulf %get3A_303, %exp3A : vector<16xf32>
        %swap3A_400 = arith.index_cast %scan3A_240 : i32 to index
        %swap3A_401 = arith.constant 64 : index
        %swap3A_402 = tpu.vector_load %arg13[%swap3A_400, %swap3A_401] {strides = array<i32>} : memref<128x144xf32, #tpu.memory_space<vmem>>, vector<1x16xf32>,
        %swap3A_403 = vector.shape_cast %swap3A_402 : vector<1x16xf32> to vector<16xf32>
        %swap3A_404 = vector.shape_cast %mul3A_399 : vector<16xf32> to vector<1x16xf32>
        tpu.vector_store %arg13[%swap3A_400, %swap3A_401], %swap3A_404 {strides = array<i32>} : memref<128x144xf32, #tpu.memory_space<vmem>>, vector<1x16xf32>,
        %mul3A_405 = arith.mulf %get3A_318, %exp3A : vector<16xf32>
        %swap3A_406 = arith.index_cast %scan3A_240 : i32 to index
        %swap3A_407 = arith.constant 80 : index
        %swap3A_408 = tpu.vector_load %arg13[%swap3A_406, %swap3A_407] {strides = array<i32>} : memref<128x144xf32, #tpu.memory_space<vmem>>, vector<1x16xf32>,
        %swap3A_409 = vector.shape_cast %swap3A_408 : vector<1x16xf32> to vector<16xf32>
        %swap3A_410 = vector.shape_cast %mul3A_405 : vector<16xf32> to vector<1x16xf32>
        tpu.vector_store %arg13[%swap3A_406, %swap3A_407], %swap3A_410 {strides = array<i32>} : memref<128x144xf32, #tpu.memory_space<vmem>>, vector<1x16xf32>,
        %mul3A_411 = arith.mulf %get3A_333, %exp3A : vector<16xf32>
        %swap3A_412 = arith.index_cast %scan3A_240 : i32 to index
        %swap3A_413 = arith.constant 96 : index
        %swap3A_414 = tpu.vector_load %arg13[%swap3A_412, %swap3A_413] {strides = array<i32>} : memref<128x144xf32, #tpu.memory_space<vmem>>, vector<1x16xf32>,
        %swap3A_415 = vector.shape_cast %swap3A_414 : vector<1x16xf32> to vector<16xf32>
        %swap3A_416 = vector.shape_cast %mul3A_411 : vector<16xf32> to vector<1x16xf32>
        tpu.vector_store %arg13[%swap3A_412, %swap3A_413], %swap3A_416 {strides = array<i32>} : memref<128x144xf32, #tpu.memory_space<vmem>>, vector<1x16xf32>,
        %mul3A_417 = arith.mulf %get3A_348, %exp3A : vector<16xf32>
        %swap3A_418 = arith.index_cast %scan3A_240 : i32 to index
        %swap3A_419 = arith.constant 112 : index
        %swap3A_420 = tpu.vector_load %arg13[%swap3A_418, %swap3A_419] {strides = array<i32>} : memref<128x144xf32, #tpu.memory_space<vmem>>, vector<1x16xf32>,
        %swap3A_421 = vector.shape_cast %swap3A_420 : vector<1x16xf32> to vector<16xf32>
        %swap3A_422 = vector.shape_cast %mul3A_417 : vector<16xf32> to vector<1x16xf32>
        tpu.vector_store %arg13[%swap3A_418, %swap3A_419], %swap3A_422 {strides = array<i32>} : memref<128x144xf32, #tpu.memory_space<vmem>>, vector<1x16xf32>,
        %select_n3A_423 = arith.select %eq3A_41, %exp3A, %broadcast_in_dim3A_0 : vector<16xi1>, vector<16xf32>
        %swap3A_424 = arith.index_cast %scan3A_240 : i32 to index
        %swap3A_425 = arith.constant 128 : index
        %swap3A_426 = tpu.vector_load %arg13[%swap3A_424, %swap3A_425] {strides = array<i32>} : memref<128x144xf32, #tpu.memory_space<vmem>>, vector<1x16xf32>,
        %swap3A_427 = vector.shape_cast %swap3A_426 : vector<1x16xf32> to vector<16xf32>
        %swap3A_428 = vector.shape_cast %select_n3A_423 : vector<16xf32> to vector<1x16xf32>
        tpu.vector_store %arg13[%swap3A_424, %swap3A_425], %swap3A_428 {strides = array<i32>} : memref<128x144xf32, #tpu.memory_space<vmem>>, vector<1x16xf32>,
        %scan3A_429 = arith.constant 0 : i32
        scf.yield %scan3A_429 : i32
      }
      %scan3A_238 = arith.constant 128 : i32
      "tpu.region"() ({
        %run_scoped3A = tpu.sem_alloc : memref<!tpu.dma_semaphore, #tpu.memory_space<semaphore_mem>>
        %dma_start3A_240 = arith.constant 0 : i32
        %dma_start3A_241 = arith.constant 0 : i32
        %dma_start3A_242 = tpu.memref_slice %arg15[%dma_start3A_240, %dma_start3A_241] : memref<5248x144xf32, #tpu.memory_space<vmem_shared>> -> memref<5248x144xf32, #tpu.memory_space<vmem_shared>>
        tpu.enqueue_indirect_dma source(%arg13 : memref<128x144xf32, #tpu.memory_space<vmem>>) target(%dma_start3A_242 : memref<5248x144xf32, #tpu.memory_space<vmem_shared>>) offsets(%arg10 : memref<128xi32, #tpu.memory_space<vmem>>) semaphore(%run_scoped3A : memref<!tpu.dma_semaphore, #tpu.memory_space<semaphore_mem>>) {add = true}
        %dma_wait3A_243 = arith.constant 0 : i32
        %dma_wait3A_244 = arith.constant 0 : i32
        %dma_wait3A_245 = tpu.memref_slice %arg15[%dma_wait3A_243, %dma_wait3A_244] : memref<5248x144xf32, #tpu.memory_space<vmem_shared>> -> memref<5248x144xf32, #tpu.memory_space<vmem_shared>>
        tpu.wait_indirect_dma semaphore(%run_scoped3A : memref<!tpu.dma_semaphore, #tpu.memory_space<semaphore_mem>>) src(%arg13 : memref<128x144xf32, #tpu.memory_space<vmem>>) dst(%dma_wait3A_245 : memref<5248x144xf32, #tpu.memory_space<vmem_shared>>)
        tpu.yield
      }) : () -> ()
      %scan3A_239 = arith.constant 0 : i32
      scf.yield %scan3A_239 : i32
    }
    %scan3A_61 = arith.constant 162 : i32
    %barrier3A_62 = arith.constant 0 : index
    tpu.barrier barrier_id(%barrier3A_62)
    %mul3A_63 = arith.constant 328 : i32
    %mul3A_64 = arith.muli %arg1, %mul3A_63 : i32
    %mul3A_65 = arith.constant 5248 : i32
    %mul3A_66 = arith.muli %arg0, %mul3A_65 : i32
    %mul3A_67 = arith.constant 328 : i32
    %mul3A_68 = arith.muli %arg1, %mul3A_67 : i32
    %add3A_69 = arith.addi %mul3A_66, %mul3A_68 : i32
    "tpu.region"() ({
      %run_scoped3A = tpu.sem_alloc : memref<!tpu.dma_semaphore, #tpu.memory_space<semaphore_mem>>
      %dma_start3A = arith.constant 0 : i32
      %dma_start3A_70 = tpu.memref_slice %arg7[%add3A_69, %dma_start3A] : memref<10496x144xf32, #tpu.memory_space<hbm>> -> memref<328x144xf32, #tpu.memory_space<hbm>>
      %dma_start3A_71 = arith.constant 0 : i32
      %dma_start3A_72 = tpu.memref_slice %arg15[%mul3A_64, %dma_start3A_71] : memref<5248x144xf32, #tpu.memory_space<vmem_shared>> -> memref<328x144xf32, #tpu.memory_space<vmem_shared>>
      tpu.enqueue_dma source(%dma_start3A_72 : memref<328x144xf32, #tpu.memory_space<vmem_shared>>) target(%dma_start3A_70 : memref<328x144xf32, #tpu.memory_space<hbm>>) target_semaphore(%run_scoped3A : memref<!tpu.dma_semaphore, #tpu.memory_space<semaphore_mem>>)
      %dma_wait3A = arith.constant 0 : i32
      %dma_wait3A_73 = tpu.memref_slice %arg7[%add3A_69, %dma_wait3A] : memref<10496x144xf32, #tpu.memory_space<hbm>> -> memref<328x144xf32, #tpu.memory_space<hbm>>
      %dma_wait3A_74 = arith.constant 0 : i32
      %dma_wait3A_75 = tpu.memref_slice %arg15[%mul3A_64, %dma_wait3A_74] : memref<5248x144xf32, #tpu.memory_space<vmem_shared>> -> memref<328x144xf32, #tpu.memory_space<vmem_shared>>
      tpu.wait_dma2 semaphore(%run_scoped3A : memref<!tpu.dma_semaphore, #tpu.memory_space<semaphore_mem>>) src(%dma_wait3A_75 : memref<328x144xf32, #tpu.memory_space<vmem_shared>>) dst(%dma_wait3A_73 : memref<328x144xf32, #tpu.memory_space<hbm>>)
      tpu.yield
    }) : () -> ()
    return
  }
}

#map = affine_map<(d0, d1) -> (0, 0)>
#map1 = affine_map<(d0, d1) -> (0)>
module attributes {stable_mosaic.version = 14 : i64} {
  func.func @k(%arg0: i32, %arg1: i32, %arg2: memref<10240x32xf32, #tpu.memory_space<hbm>>, %arg3: memref<10240x32xf32, #tpu.memory_space<hbm>>, %arg4: memref<331776xi32, #tpu.memory_space<hbm>>, %arg5: memref<331776xi32, #tpu.memory_space<hbm>>, %arg6: memref<32xf32, #tpu.memory_space<hbm>>, %arg7: memref<20480x48xf32, #tpu.memory_space<hbm>>, %arg8: memref<128xi32, #tpu.memory_space<vmem>>, %arg9: memref<128xi32, #tpu.memory_space<vmem>>, %arg10: memref<128xi32, #tpu.memory_space<vmem>>, %arg11: memref<128x32xf32, #tpu.memory_space<vmem>>, %arg12: memref<128x32xf32, #tpu.memory_space<vmem>>, %arg13: memref<128x48xf32, #tpu.memory_space<vmem>>, %arg14: memref<32xf32, #tpu.memory_space<vmem>>, %arg15: memref<10240x48xf32, #tpu.memory_space<vmem_shared>>, %arg16: memref<!tpu.dma_semaphore, #tpu.memory_space<semaphore_mem>>) attributes {dimension_semantics = [#tpu.dimension_semantics<core_parallel>, #tpu.dimension_semantics<subcore_parallel>], iteration_bounds = array<i64: 2, 16>, scalar_prefetch = 0 : i64, scratch_operands = 9 : i64, tpu.core_type = #tpu.core_type<sc_vector_subcore>, window_params = [{transform_indices = #map}, {transform_indices = #map}, {transform_indices = #map1}, {transform_indices = #map1}, {transform_indices = #map1}, {transform_indices = #map}]} {
    %broadcast_in_dim3A = arith.constant 0.000000e+00 : f32
    %broadcast_in_dim3A_0 = vector.broadcast %broadcast_in_dim3A : f32 to vector<16xf32>
    %scan3A = arith.constant 0 : i32
    %scan3A_1 = arith.constant 0 : i32
    %scan3A_2 = arith.constant 128 : i32
    %scan3A_3 = arith.addi %scan3A_1, %scan3A_2 : i32
    %scan3A_4 = arith.constant 1 : i32
    %scan3A_5 = scf.for %scan3A_63 = %scan3A_1 to %scan3A_3 step %scan3A_4 iter_args(%scan3A_64 = %scan3A) -> (i32)  : i32 {
      %swap3A = arith.index_cast %scan3A_63 : i32 to index
      %swap3A_65 = arith.constant 0 : index
      %swap3A_66 = tpu.vector_load %arg13[%swap3A, %swap3A_65] {strides = array<i32>} : memref<128x48xf32, #tpu.memory_space<vmem>>, vector<1x16xf32>,
      %swap3A_67 = vector.shape_cast %swap3A_66 : vector<1x16xf32> to vector<16xf32>
      %swap3A_68 = vector.shape_cast %broadcast_in_dim3A_0 : vector<16xf32> to vector<1x16xf32>
      tpu.vector_store %arg13[%swap3A, %swap3A_65], %swap3A_68 {strides = array<i32>} : memref<128x48xf32, #tpu.memory_space<vmem>>, vector<1x16xf32>,
      %swap3A_69 = arith.index_cast %scan3A_63 : i32 to index
      %swap3A_70 = arith.constant 16 : index
      %swap3A_71 = tpu.vector_load %arg13[%swap3A_69, %swap3A_70] {strides = array<i32>} : memref<128x48xf32, #tpu.memory_space<vmem>>, vector<1x16xf32>,
      %swap3A_72 = vector.shape_cast %swap3A_71 : vector<1x16xf32> to vector<16xf32>
      %swap3A_73 = vector.shape_cast %broadcast_in_dim3A_0 : vector<16xf32> to vector<1x16xf32>
      tpu.vector_store %arg13[%swap3A_69, %swap3A_70], %swap3A_73 {strides = array<i32>} : memref<128x48xf32, #tpu.memory_space<vmem>>, vector<1x16xf32>,
      %swap3A_74 = arith.index_cast %scan3A_63 : i32 to index
      %swap3A_75 = arith.constant 32 : index
      %swap3A_76 = tpu.vector_load %arg13[%swap3A_74, %swap3A_75] {strides = array<i32>} : memref<128x48xf32, #tpu.memory_space<vmem>>, vector<1x16xf32>,
      %swap3A_77 = vector.shape_cast %swap3A_76 : vector<1x16xf32> to vector<16xf32>
      %swap3A_78 = vector.shape_cast %broadcast_in_dim3A_0 : vector<16xf32> to vector<1x16xf32>
      tpu.vector_store %arg13[%swap3A_74, %swap3A_75], %swap3A_78 {strides = array<i32>} : memref<128x48xf32, #tpu.memory_space<vmem>>, vector<1x16xf32>,
      %scan3A_79 = arith.constant 0 : i32
      scf.yield %scan3A_79 : i32
    }
    %scan3A_6 = arith.constant 128 : i32
    %mul3A = arith.constant 640 : i32
    %mul3A_7 = arith.muli %arg1, %mul3A : i32
    %add3A = arith.constant 0 : i32
    %add3A_8 = arith.addi %mul3A_7, %add3A : i32
    "tpu.region"() ({
      %run_scoped3A = tpu.sem_alloc : memref<!tpu.dma_semaphore, #tpu.memory_space<semaphore_mem>>
      %dma_start3A = arith.constant 0 : i32
      %dma_start3A_63 = arith.constant 0 : i32
      %dma_start3A_64 = tpu.memref_slice %arg13[%dma_start3A, %dma_start3A_63] : memref<128x48xf32, #tpu.memory_space<vmem>> -> memref<128x48xf32, #tpu.memory_space<vmem>>
      %dma_start3A_65 = arith.constant 0 : i32
      %dma_start3A_66 = tpu.memref_slice %arg15[%add3A_8, %dma_start3A_65] : memref<10240x48xf32, #tpu.memory_space<vmem_shared>> -> memref<128x48xf32, #tpu.memory_space<vmem_shared>>
      %dma_start3A_67 = arith.constant 0 : i32
      %dma_start3A_68 = tpu.memref_slice %arg15[%add3A_8, %dma_start3A_67] : memref<10240x48xf32, #tpu.memory_space<vmem_shared>> -> memref<128x48xf32, #tpu.memory_space<vmem_shared>>
      %dma_start3A_69 = arith.constant 0 : i32
      %dma_start3A_70 = arith.constant 0 : i32
      %dma_start3A_71 = tpu.memref_slice %arg13[%dma_start3A_69, %dma_start3A_70] : memref<128x48xf32, #tpu.memory_space<vmem>> -> memref<128x48xf32, #tpu.memory_space<vmem>>
      tpu.enqueue_dma source(%dma_start3A_71 : memref<128x48xf32, #tpu.memory_space<vmem>>) target(%dma_start3A_68 : memref<128x48xf32, #tpu.memory_space<vmem_shared>>) target_semaphore(%run_scoped3A : memref<!tpu.dma_semaphore, #tpu.memory_space<semaphore_mem>>)
      %dma_wait3A = arith.constant 0 : i32
      %dma_wait3A_72 = arith.constant 0 : i32
      %dma_wait3A_73 = tpu.memref_slice %arg13[%dma_wait3A, %dma_wait3A_72] : memref<128x48xf32, #tpu.memory_space<vmem>> -> memref<128x48xf32, #tpu.memory_space<vmem>>
      %dma_wait3A_74 = arith.constant 0 : i32
      %dma_wait3A_75 = tpu.memref_slice %arg15[%add3A_8, %dma_wait3A_74] : memref<10240x48xf32, #tpu.memory_space<vmem_shared>> -> memref<128x48xf32, #tpu.memory_space<vmem_shared>>
      %dma_wait3A_76 = arith.constant 0 : i32
      %dma_wait3A_77 = tpu.memref_slice %arg15[%add3A_8, %dma_wait3A_76] : memref<10240x48xf32, #tpu.memory_space<vmem_shared>> -> memref<128x48xf32, #tpu.memory_space<vmem_shared>>
      %dma_wait3A_78 = arith.constant 0 : i32
      %dma_wait3A_79 = arith.constant 0 : i32
      %dma_wait3A_80 = tpu.memref_slice %arg13[%dma_wait3A_78, %dma_wait3A_79] : memref<128x48xf32, #tpu.memory_space<vmem>> -> memref<128x48xf32, #tpu.memory_space<vmem>>
      tpu.wait_dma2 semaphore(%run_scoped3A : memref<!tpu.dma_semaphore, #tpu.memory_space<semaphore_mem>>) src(%dma_wait3A_80 : memref<128x48xf32, #tpu.memory_space<vmem>>) dst(%dma_wait3A_77 : memref<128x48xf32, #tpu.memory_space<vmem_shared>>)
      tpu.yield
    }) : () -> ()
    %mul3A_9 = arith.constant 640 : i32
    %mul3A_10 = arith.muli %arg1, %mul3A_9 : i32
    %add3A_11 = arith.constant 128 : i32
    %add3A_12 = arith.addi %mul3A_10, %add3A_11 : i32
    "tpu.region"() ({
      %run_scoped3A = tpu.sem_alloc : memref<!tpu.dma_semaphore, #tpu.memory_space<semaphore_mem>>
      %dma_start3A = arith.constant 0 : i32
      %dma_start3A_63 = arith.constant 0 : i32
      %dma_start3A_64 = tpu.memref_slice %arg13[%dma_start3A, %dma_start3A_63] : memref<128x48xf32, #tpu.memory_space<vmem>> -> memref<128x48xf32, #tpu.memory_space<vmem>>
      %dma_start3A_65 = arith.constant 0 : i32
      %dma_start3A_66 = tpu.memref_slice %arg15[%add3A_12, %dma_start3A_65] : memref<10240x48xf32, #tpu.memory_space<vmem_shared>> -> memref<128x48xf32, #tpu.memory_space<vmem_shared>>
      %dma_start3A_67 = arith.constant 0 : i32
      %dma_start3A_68 = tpu.memref_slice %arg15[%add3A_12, %dma_start3A_67] : memref<10240x48xf32, #tpu.memory_space<vmem_shared>> -> memref<128x48xf32, #tpu.memory_space<vmem_shared>>
      %dma_start3A_69 = arith.constant 0 : i32
      %dma_start3A_70 = arith.constant 0 : i32
      %dma_start3A_71 = tpu.memref_slice %arg13[%dma_start3A_69, %dma_start3A_70] : memref<128x48xf32, #tpu.memory_space<vmem>> -> memref<128x48xf32, #tpu.memory_space<vmem>>
      tpu.enqueue_dma source(%dma_start3A_71 : memref<128x48xf32, #tpu.memory_space<vmem>>) target(%dma_start3A_68 : memref<128x48xf32, #tpu.memory_space<vmem_shared>>) target_semaphore(%run_scoped3A : memref<!tpu.dma_semaphore, #tpu.memory_space<semaphore_mem>>)
      %dma_wait3A = arith.constant 0 : i32
      %dma_wait3A_72 = arith.constant 0 : i32
      %dma_wait3A_73 = tpu.memref_slice %arg13[%dma_wait3A, %dma_wait3A_72] : memref<128x48xf32, #tpu.memory_space<vmem>> -> memref<128x48xf32, #tpu.memory_space<vmem>>
      %dma_wait3A_74 = arith.constant 0 : i32
      %dma_wait3A_75 = tpu.memref_slice %arg15[%add3A_12, %dma_wait3A_74] : memref<10240x48xf32, #tpu.memory_space<vmem_shared>> -> memref<128x48xf32, #tpu.memory_space<vmem_shared>>
      %dma_wait3A_76 = arith.constant 0 : i32
      %dma_wait3A_77 = tpu.memref_slice %arg15[%add3A_12, %dma_wait3A_76] : memref<10240x48xf32, #tpu.memory_space<vmem_shared>> -> memref<128x48xf32, #tpu.memory_space<vmem_shared>>
      %dma_wait3A_78 = arith.constant 0 : i32
      %dma_wait3A_79 = arith.constant 0 : i32
      %dma_wait3A_80 = tpu.memref_slice %arg13[%dma_wait3A_78, %dma_wait3A_79] : memref<128x48xf32, #tpu.memory_space<vmem>> -> memref<128x48xf32, #tpu.memory_space<vmem>>
      tpu.wait_dma2 semaphore(%run_scoped3A : memref<!tpu.dma_semaphore, #tpu.memory_space<semaphore_mem>>) src(%dma_wait3A_80 : memref<128x48xf32, #tpu.memory_space<vmem>>) dst(%dma_wait3A_77 : memref<128x48xf32, #tpu.memory_space<vmem_shared>>)
      tpu.yield
    }) : () -> ()
    %mul3A_13 = arith.constant 640 : i32
    %mul3A_14 = arith.muli %arg1, %mul3A_13 : i32
    %add3A_15 = arith.constant 256 : i32
    %add3A_16 = arith.addi %mul3A_14, %add3A_15 : i32
    "tpu.region"() ({
      %run_scoped3A = tpu.sem_alloc : memref<!tpu.dma_semaphore, #tpu.memory_space<semaphore_mem>>
      %dma_start3A = arith.constant 0 : i32
      %dma_start3A_63 = arith.constant 0 : i32
      %dma_start3A_64 = tpu.memref_slice %arg13[%dma_start3A, %dma_start3A_63] : memref<128x48xf32, #tpu.memory_space<vmem>> -> memref<128x48xf32, #tpu.memory_space<vmem>>
      %dma_start3A_65 = arith.constant 0 : i32
      %dma_start3A_66 = tpu.memref_slice %arg15[%add3A_16, %dma_start3A_65] : memref<10240x48xf32, #tpu.memory_space<vmem_shared>> -> memref<128x48xf32, #tpu.memory_space<vmem_shared>>
      %dma_start3A_67 = arith.constant 0 : i32
      %dma_start3A_68 = tpu.memref_slice %arg15[%add3A_16, %dma_start3A_67] : memref<10240x48xf32, #tpu.memory_space<vmem_shared>> -> memref<128x48xf32, #tpu.memory_space<vmem_shared>>
      %dma_start3A_69 = arith.constant 0 : i32
      %dma_start3A_70 = arith.constant 0 : i32
      %dma_start3A_71 = tpu.memref_slice %arg13[%dma_start3A_69, %dma_start3A_70] : memref<128x48xf32, #tpu.memory_space<vmem>> -> memref<128x48xf32, #tpu.memory_space<vmem>>
      tpu.enqueue_dma source(%dma_start3A_71 : memref<128x48xf32, #tpu.memory_space<vmem>>) target(%dma_start3A_68 : memref<128x48xf32, #tpu.memory_space<vmem_shared>>) target_semaphore(%run_scoped3A : memref<!tpu.dma_semaphore, #tpu.memory_space<semaphore_mem>>)
      %dma_wait3A = arith.constant 0 : i32
      %dma_wait3A_72 = arith.constant 0 : i32
      %dma_wait3A_73 = tpu.memref_slice %arg13[%dma_wait3A, %dma_wait3A_72] : memref<128x48xf32, #tpu.memory_space<vmem>> -> memref<128x48xf32, #tpu.memory_space<vmem>>
      %dma_wait3A_74 = arith.constant 0 : i32
      %dma_wait3A_75 = tpu.memref_slice %arg15[%add3A_16, %dma_wait3A_74] : memref<10240x48xf32, #tpu.memory_space<vmem_shared>> -> memref<128x48xf32, #tpu.memory_space<vmem_shared>>
      %dma_wait3A_76 = arith.constant 0 : i32
      %dma_wait3A_77 = tpu.memref_slice %arg15[%add3A_16, %dma_wait3A_76] : memref<10240x48xf32, #tpu.memory_space<vmem_shared>> -> memref<128x48xf32, #tpu.memory_space<vmem_shared>>
      %dma_wait3A_78 = arith.constant 0 : i32
      %dma_wait3A_79 = arith.constant 0 : i32
      %dma_wait3A_80 = tpu.memref_slice %arg13[%dma_wait3A_78, %dma_wait3A_79] : memref<128x48xf32, #tpu.memory_space<vmem>> -> memref<128x48xf32, #tpu.memory_space<vmem>>
      tpu.wait_dma2 semaphore(%run_scoped3A : memref<!tpu.dma_semaphore, #tpu.memory_space<semaphore_mem>>) src(%dma_wait3A_80 : memref<128x48xf32, #tpu.memory_space<vmem>>) dst(%dma_wait3A_77 : memref<128x48xf32, #tpu.memory_space<vmem_shared>>)
      tpu.yield
    }) : () -> ()
    %mul3A_17 = arith.constant 640 : i32
    %mul3A_18 = arith.muli %arg1, %mul3A_17 : i32
    %add3A_19 = arith.constant 384 : i32
    %add3A_20 = arith.addi %mul3A_18, %add3A_19 : i32
    "tpu.region"() ({
      %run_scoped3A = tpu.sem_alloc : memref<!tpu.dma_semaphore, #tpu.memory_space<semaphore_mem>>
      %dma_start3A = arith.constant 0 : i32
      %dma_start3A_63 = arith.constant 0 : i32
      %dma_start3A_64 = tpu.memref_slice %arg13[%dma_start3A, %dma_start3A_63] : memref<128x48xf32, #tpu.memory_space<vmem>> -> memref<128x48xf32, #tpu.memory_space<vmem>>
      %dma_start3A_65 = arith.constant 0 : i32
      %dma_start3A_66 = tpu.memref_slice %arg15[%add3A_20, %dma_start3A_65] : memref<10240x48xf32, #tpu.memory_space<vmem_shared>> -> memref<128x48xf32, #tpu.memory_space<vmem_shared>>
      %dma_start3A_67 = arith.constant 0 : i32
      %dma_start3A_68 = tpu.memref_slice %arg15[%add3A_20, %dma_start3A_67] : memref<10240x48xf32, #tpu.memory_space<vmem_shared>> -> memref<128x48xf32, #tpu.memory_space<vmem_shared>>
      %dma_start3A_69 = arith.constant 0 : i32
      %dma_start3A_70 = arith.constant 0 : i32
      %dma_start3A_71 = tpu.memref_slice %arg13[%dma_start3A_69, %dma_start3A_70] : memref<128x48xf32, #tpu.memory_space<vmem>> -> memref<128x48xf32, #tpu.memory_space<vmem>>
      tpu.enqueue_dma source(%dma_start3A_71 : memref<128x48xf32, #tpu.memory_space<vmem>>) target(%dma_start3A_68 : memref<128x48xf32, #tpu.memory_space<vmem_shared>>) target_semaphore(%run_scoped3A : memref<!tpu.dma_semaphore, #tpu.memory_space<semaphore_mem>>)
      %dma_wait3A = arith.constant 0 : i32
      %dma_wait3A_72 = arith.constant 0 : i32
      %dma_wait3A_73 = tpu.memref_slice %arg13[%dma_wait3A, %dma_wait3A_72] : memref<128x48xf32, #tpu.memory_space<vmem>> -> memref<128x48xf32, #tpu.memory_space<vmem>>
      %dma_wait3A_74 = arith.constant 0 : i32
      %dma_wait3A_75 = tpu.memref_slice %arg15[%add3A_20, %dma_wait3A_74] : memref<10240x48xf32, #tpu.memory_space<vmem_shared>> -> memref<128x48xf32, #tpu.memory_space<vmem_shared>>
      %dma_wait3A_76 = arith.constant 0 : i32
      %dma_wait3A_77 = tpu.memref_slice %arg15[%add3A_20, %dma_wait3A_76] : memref<10240x48xf32, #tpu.memory_space<vmem_shared>> -> memref<128x48xf32, #tpu.memory_space<vmem_shared>>
      %dma_wait3A_78 = arith.constant 0 : i32
      %dma_wait3A_79 = arith.constant 0 : i32
      %dma_wait3A_80 = tpu.memref_slice %arg13[%dma_wait3A_78, %dma_wait3A_79] : memref<128x48xf32, #tpu.memory_space<vmem>> -> memref<128x48xf32, #tpu.memory_space<vmem>>
      tpu.wait_dma2 semaphore(%run_scoped3A : memref<!tpu.dma_semaphore, #tpu.memory_space<semaphore_mem>>) src(%dma_wait3A_80 : memref<128x48xf32, #tpu.memory_space<vmem>>) dst(%dma_wait3A_77 : memref<128x48xf32, #tpu.memory_space<vmem_shared>>)
      tpu.yield
    }) : () -> ()
    %mul3A_21 = arith.constant 640 : i32
    %mul3A_22 = arith.muli %arg1, %mul3A_21 : i32
    %add3A_23 = arith.constant 512 : i32
    %add3A_24 = arith.addi %mul3A_22, %add3A_23 : i32
    "tpu.region"() ({
      %run_scoped3A = tpu.sem_alloc : memref<!tpu.dma_semaphore, #tpu.memory_space<semaphore_mem>>
      %dma_start3A = arith.constant 0 : i32
      %dma_start3A_63 = arith.constant 0 : i32
      %dma_start3A_64 = tpu.memref_slice %arg13[%dma_start3A, %dma_start3A_63] : memref<128x48xf32, #tpu.memory_space<vmem>> -> memref<128x48xf32, #tpu.memory_space<vmem>>
      %dma_start3A_65 = arith.constant 0 : i32
      %dma_start3A_66 = tpu.memref_slice %arg15[%add3A_24, %dma_start3A_65] : memref<10240x48xf32, #tpu.memory_space<vmem_shared>> -> memref<128x48xf32, #tpu.memory_space<vmem_shared>>
      %dma_start3A_67 = arith.constant 0 : i32
      %dma_start3A_68 = tpu.memref_slice %arg15[%add3A_24, %dma_start3A_67] : memref<10240x48xf32, #tpu.memory_space<vmem_shared>> -> memref<128x48xf32, #tpu.memory_space<vmem_shared>>
      %dma_start3A_69 = arith.constant 0 : i32
      %dma_start3A_70 = arith.constant 0 : i32
      %dma_start3A_71 = tpu.memref_slice %arg13[%dma_start3A_69, %dma_start3A_70] : memref<128x48xf32, #tpu.memory_space<vmem>> -> memref<128x48xf32, #tpu.memory_space<vmem>>
      tpu.enqueue_dma source(%dma_start3A_71 : memref<128x48xf32, #tpu.memory_space<vmem>>) target(%dma_start3A_68 : memref<128x48xf32, #tpu.memory_space<vmem_shared>>) target_semaphore(%run_scoped3A : memref<!tpu.dma_semaphore, #tpu.memory_space<semaphore_mem>>)
      %dma_wait3A = arith.constant 0 : i32
      %dma_wait3A_72 = arith.constant 0 : i32
      %dma_wait3A_73 = tpu.memref_slice %arg13[%dma_wait3A, %dma_wait3A_72] : memref<128x48xf32, #tpu.memory_space<vmem>> -> memref<128x48xf32, #tpu.memory_space<vmem>>
      %dma_wait3A_74 = arith.constant 0 : i32
      %dma_wait3A_75 = tpu.memref_slice %arg15[%add3A_24, %dma_wait3A_74] : memref<10240x48xf32, #tpu.memory_space<vmem_shared>> -> memref<128x48xf32, #tpu.memory_space<vmem_shared>>
      %dma_wait3A_76 = arith.constant 0 : i32
      %dma_wait3A_77 = tpu.memref_slice %arg15[%add3A_24, %dma_wait3A_76] : memref<10240x48xf32, #tpu.memory_space<vmem_shared>> -> memref<128x48xf32, #tpu.memory_space<vmem_shared>>
      %dma_wait3A_78 = arith.constant 0 : i32
      %dma_wait3A_79 = arith.constant 0 : i32
      %dma_wait3A_80 = tpu.memref_slice %arg13[%dma_wait3A_78, %dma_wait3A_79] : memref<128x48xf32, #tpu.memory_space<vmem>> -> memref<128x48xf32, #tpu.memory_space<vmem>>
      tpu.wait_dma2 semaphore(%run_scoped3A : memref<!tpu.dma_semaphore, #tpu.memory_space<semaphore_mem>>) src(%dma_wait3A_80 : memref<128x48xf32, #tpu.memory_space<vmem>>) dst(%dma_wait3A_77 : memref<128x48xf32, #tpu.memory_space<vmem_shared>>)
      tpu.yield
    }) : () -> ()
    %barrier3A = arith.constant 0 : index
    tpu.barrier barrier_id(%barrier3A)
    "tpu.region"() ({
      %run_scoped3A = tpu.sem_alloc : memref<!tpu.dma_semaphore, #tpu.memory_space<semaphore_mem>>
      tpu.enqueue_dma source(%arg6 : memref<32xf32, #tpu.memory_space<hbm>>) target(%arg14 : memref<32xf32, #tpu.memory_space<vmem>>) target_semaphore(%run_scoped3A : memref<!tpu.dma_semaphore, #tpu.memory_space<semaphore_mem>>)
      tpu.wait_dma2 semaphore(%run_scoped3A : memref<!tpu.dma_semaphore, #tpu.memory_space<semaphore_mem>>) src(%arg6 : memref<32xf32, #tpu.memory_space<hbm>>) dst(%arg14 : memref<32xf32, #tpu.memory_space<vmem>>)
      tpu.yield
    }) : () -> ()
    %get3A = arith.constant 0 : index
    %get3A_25 = tpu.vector_load %arg14[%get3A] {strides = array<i32>} : memref<32xf32, #tpu.memory_space<vmem>>, vector<16xf32>,
    %get3A_26 = vector.shape_cast %get3A_25 : vector<16xf32> to vector<16xf32>
    %get3A_27 = arith.constant 16 : index
    %get3A_28 = tpu.vector_load %arg14[%get3A_27] {strides = array<i32>} : memref<32xf32, #tpu.memory_space<vmem>>, vector<16xf32>,
    %get3A_29 = vector.shape_cast %get3A_28 : vector<16xf32> to vector<16xf32>
    %iota3A = tpu.iota {dimensions = array<i32: 0>} : vector<16xi32>
    %eq3A = arith.constant 0 : i32
    %eq3A_30 = vector.broadcast %eq3A : i32 to vector<16xi32>
    %eq3A_31 = arith.cmpi eq, %iota3A, %eq3A_30 : vector<16xi32>
    %xor3A = arith.constant 1 : i32
    %xor3A_32 = vector.broadcast %xor3A : i32 to vector<16xi32>
    %xor3A_33 = arith.xori %iota3A, %xor3A_32 : vector<16xi32>
    %xor3A_34 = arith.constant 2 : i32
    %xor3A_35 = vector.broadcast %xor3A_34 : i32 to vector<16xi32>
    %xor3A_36 = arith.xori %iota3A, %xor3A_35 : vector<16xi32>
    %xor3A_37 = arith.constant 4 : i32
    %xor3A_38 = vector.broadcast %xor3A_37 : i32 to vector<16xi32>
    %xor3A_39 = arith.xori %iota3A, %xor3A_38 : vector<16xi32>
    %xor3A_40 = arith.constant 8 : i32
    %xor3A_41 = vector.broadcast %xor3A_40 : i32 to vector<16xi32>
    %xor3A_42 = arith.xori %iota3A, %xor3A_41 : vector<16xi32>
    %mul3A_43 = arith.constant 2 : i32
    %mul3A_44 = arith.muli %arg1, %mul3A_43 : i32
    %add3A_45 = arith.addi %mul3A_44, %arg0 : i32
    %mul3A_46 = arith.constant 10368 : i32
    %mul3A_47 = arith.muli %add3A_45, %mul3A_46 : i32
    %scan3A_48 = arith.constant 0 : i32
    %scan3A_49 = arith.constant 0 : i32
    %scan3A_50 = arith.constant 81 : i32
    %scan3A_51 = arith.addi %scan3A_49, %scan3A_50 : i32
    %scan3A_52 = arith.constant 1 : i32
    %scan3A_53 = scf.for %scan3A_63 = %scan3A_49 to %scan3A_51 step %scan3A_52 iter_args(%scan3A_64 = %scan3A_48) -> (i32)  : i32 {
      %mul3A_65 = arith.constant 128 : i32
      %mul3A_66 = arith.muli %scan3A_63, %mul3A_65 : i32
      %add3A_67 = arith.addi %mul3A_47, %mul3A_66 : i32
      "tpu.region"() ({
        %run_scoped3A = tpu.sem_alloc : memref<!tpu.dma_semaphore, #tpu.memory_space<semaphore_mem>>
        %dma_start3A_86 = tpu.memref_slice %arg4[%add3A_67] : memref<331776xi32, #tpu.memory_space<hbm>> -> memref<128xi32, #tpu.memory_space<hbm>>
        %dma_start3A_87 = tpu.memref_slice %arg4[%add3A_67] : memref<331776xi32, #tpu.memory_space<hbm>> -> memref<128xi32, #tpu.memory_space<hbm>>
        tpu.enqueue_dma source(%dma_start3A_87 : memref<128xi32, #tpu.memory_space<hbm>>) target(%arg8 : memref<128xi32, #tpu.memory_space<vmem>>) target_semaphore(%run_scoped3A : memref<!tpu.dma_semaphore, #tpu.memory_space<semaphore_mem>>)
        %dma_wait3A_88 = tpu.memref_slice %arg4[%add3A_67] : memref<331776xi32, #tpu.memory_space<hbm>> -> memref<128xi32, #tpu.memory_space<hbm>>
        %dma_wait3A_89 = tpu.memref_slice %arg4[%add3A_67] : memref<331776xi32, #tpu.memory_space<hbm>> -> memref<128xi32, #tpu.memory_space<hbm>>
        tpu.wait_dma2 semaphore(%run_scoped3A : memref<!tpu.dma_semaphore, #tpu.memory_space<semaphore_mem>>) src(%dma_wait3A_89 : memref<128xi32, #tpu.memory_space<hbm>>) dst(%arg8 : memref<128xi32, #tpu.memory_space<vmem>>)
        tpu.yield
      }) : () -> ()
      "tpu.region"() ({
        %run_scoped3A = tpu.sem_alloc : memref<!tpu.dma_semaphore, #tpu.memory_space<semaphore_mem>>
        %dma_start3A_86 = tpu.memref_slice %arg5[%add3A_67] : memref<331776xi32, #tpu.memory_space<hbm>> -> memref<128xi32, #tpu.memory_space<hbm>>
        %dma_start3A_87 = tpu.memref_slice %arg5[%add3A_67] : memref<331776xi32, #tpu.memory_space<hbm>> -> memref<128xi32, #tpu.memory_space<hbm>>
        tpu.enqueue_dma source(%dma_start3A_87 : memref<128xi32, #tpu.memory_space<hbm>>) target(%arg9 : memref<128xi32, #tpu.memory_space<vmem>>) target_semaphore(%run_scoped3A : memref<!tpu.dma_semaphore, #tpu.memory_space<semaphore_mem>>)
        %dma_wait3A_88 = tpu.memref_slice %arg5[%add3A_67] : memref<331776xi32, #tpu.memory_space<hbm>> -> memref<128xi32, #tpu.memory_space<hbm>>
        %dma_wait3A_89 = tpu.memref_slice %arg5[%add3A_67] : memref<331776xi32, #tpu.memory_space<hbm>> -> memref<128xi32, #tpu.memory_space<hbm>>
        tpu.wait_dma2 semaphore(%run_scoped3A : memref<!tpu.dma_semaphore, #tpu.memory_space<semaphore_mem>>) src(%dma_wait3A_89 : memref<128xi32, #tpu.memory_space<hbm>>) dst(%arg9 : memref<128xi32, #tpu.memory_space<vmem>>)
        tpu.yield
      }) : () -> ()
      %dma_start3A = arith.constant 0 : i32
      %dma_start3A_68 = arith.constant 0 : i32
      %dma_start3A_69 = tpu.memref_slice %arg2[%dma_start3A, %dma_start3A_68] : memref<10240x32xf32, #tpu.memory_space<hbm>> -> memref<10240x32xf32, #tpu.memory_space<hbm>>
      tpu.enqueue_indirect_dma source(%dma_start3A_69 : memref<10240x32xf32, #tpu.memory_space<hbm>>) target(%arg11 : memref<128x32xf32, #tpu.memory_space<vmem>>) offsets(%arg8 : memref<128xi32, #tpu.memory_space<vmem>>) semaphore(%arg16 : memref<!tpu.dma_semaphore, #tpu.memory_space<semaphore_mem>>)
      %dma_wait3A = arith.constant 0 : i32
      %dma_wait3A_70 = arith.constant 0 : i32
      %dma_wait3A_71 = tpu.memref_slice %arg2[%dma_wait3A, %dma_wait3A_70] : memref<10240x32xf32, #tpu.memory_space<hbm>> -> memref<10240x32xf32, #tpu.memory_space<hbm>>
      tpu.wait_indirect_dma semaphore(%arg16 : memref<!tpu.dma_semaphore, #tpu.memory_space<semaphore_mem>>) src(%dma_wait3A_71 : memref<10240x32xf32, #tpu.memory_space<hbm>>) dst(%arg11 : memref<128x32xf32, #tpu.memory_space<vmem>>)
      %dma_start3A_72 = arith.constant 0 : i32
      %dma_start3A_73 = arith.constant 0 : i32
      %dma_start3A_74 = tpu.memref_slice %arg3[%dma_start3A_72, %dma_start3A_73] : memref<10240x32xf32, #tpu.memory_space<hbm>> -> memref<10240x32xf32, #tpu.memory_space<hbm>>
      tpu.enqueue_indirect_dma source(%dma_start3A_74 : memref<10240x32xf32, #tpu.memory_space<hbm>>) target(%arg12 : memref<128x32xf32, #tpu.memory_space<vmem>>) offsets(%arg9 : memref<128xi32, #tpu.memory_space<vmem>>) semaphore(%arg16 : memref<!tpu.dma_semaphore, #tpu.memory_space<semaphore_mem>>)
      %dma_wait3A_75 = arith.constant 0 : i32
      %dma_wait3A_76 = arith.constant 0 : i32
      %dma_wait3A_77 = tpu.memref_slice %arg3[%dma_wait3A_75, %dma_wait3A_76] : memref<10240x32xf32, #tpu.memory_space<hbm>> -> memref<10240x32xf32, #tpu.memory_space<hbm>>
      tpu.wait_indirect_dma semaphore(%arg16 : memref<!tpu.dma_semaphore, #tpu.memory_space<semaphore_mem>>) src(%dma_wait3A_77 : memref<10240x32xf32, #tpu.memory_space<hbm>>) dst(%arg12 : memref<128x32xf32, #tpu.memory_space<vmem>>)
      %scan3A_78 = arith.constant 0 : i32
      %scan3A_79 = arith.constant 0 : i32
      %scan3A_80 = arith.constant 128 : i32
      %scan3A_81 = arith.addi %scan3A_79, %scan3A_80 : i32
      %scan3A_82 = arith.constant 1 : i32
      %scan3A_83 = scf.for %scan3A_86 = %scan3A_79 to %scan3A_81 step %scan3A_82 iter_args(%scan3A_87 = %scan3A_78) -> (i32)  : i32 {
        %get3A_88 = arith.index_cast %scan3A_86 : i32 to index
        %get3A_89 = arith.constant 0 : index
        %get3A_90 = tpu.vector_load %arg11[%get3A_88, %get3A_89] {strides = array<i32>} : memref<128x32xf32, #tpu.memory_space<vmem>>, vector<1x16xf32>,
        %get3A_91 = vector.shape_cast %get3A_90 : vector<1x16xf32> to vector<16xf32>
        %get3A_92 = arith.index_cast %scan3A_86 : i32 to index
        %get3A_93 = arith.constant 0 : index
        %get3A_94 = tpu.vector_load %arg12[%get3A_92, %get3A_93] {strides = array<i32>} : memref<128x32xf32, #tpu.memory_space<vmem>>, vector<1x16xf32>,
        %get3A_95 = vector.shape_cast %get3A_94 : vector<1x16xf32> to vector<16xf32>
        %add3A_96 = arith.addf %get3A_91, %get3A_95 : vector<16xf32>
        %mul3A_97 = arith.constant 2.000000e-01 : f32
        %mul3A_98 = vector.broadcast %mul3A_97 : f32 to vector<16xf32>
        %mul3A_99 = arith.mulf %mul3A_98, %add3A_96 : vector<16xf32>
        %max3A = arith.maximumf %add3A_96, %mul3A_99 : vector<16xf32>
        %mul3A_100 = arith.mulf %max3A, %get3A_26 : vector<16xf32>
        %get3A_101 = arith.index_cast %scan3A_86 : i32 to index
        %get3A_102 = arith.constant 16 : index
        %get3A_103 = tpu.vector_load %arg11[%get3A_101, %get3A_102] {strides = array<i32>} : memref<128x32xf32, #tpu.memory_space<vmem>>, vector<1x16xf32>,
        %get3A_104 = vector.shape_cast %get3A_103 : vector<1x16xf32> to vector<16xf32>
        %get3A_105 = arith.index_cast %scan3A_86 : i32 to index
        %get3A_106 = arith.constant 16 : index
        %get3A_107 = tpu.vector_load %arg12[%get3A_105, %get3A_106] {strides = array<i32>} : memref<128x32xf32, #tpu.memory_space<vmem>>, vector<1x16xf32>,
        %get3A_108 = vector.shape_cast %get3A_107 : vector<1x16xf32> to vector<16xf32>
        %add3A_109 = arith.addf %get3A_104, %get3A_108 : vector<16xf32>
        %mul3A_110 = arith.constant 2.000000e-01 : f32
        %mul3A_111 = vector.broadcast %mul3A_110 : f32 to vector<16xf32>
        %mul3A_112 = arith.mulf %mul3A_111, %add3A_109 : vector<16xf32>
        %max3A_113 = arith.maximumf %add3A_109, %mul3A_112 : vector<16xf32>
        %mul3A_114 = arith.mulf %max3A_113, %get3A_29 : vector<16xf32>
        %add3A_115 = arith.addf %mul3A_100, %mul3A_114 : vector<16xf32>
        %broadcast_in_dim3A_116 = vector.shape_cast %xor3A_33 : vector<16xi32> to vector<16x1xi32>
        %gather3A = vector.shape_cast %broadcast_in_dim3A_116 : vector<16x1xi32> to vector<16xi32>
        %gather3A_117 = tpu.dynamic_gather %add3A_115[%gather3A] in [0] : vector<16xf32>, vector<16xi32> -> vector<16xf32>
        %add3A_118 = arith.addf %add3A_115, %gather3A_117 : vector<16xf32>
        %broadcast_in_dim3A_119 = vector.shape_cast %xor3A_36 : vector<16xi32> to vector<16x1xi32>
        %gather3A_120 = vector.shape_cast %broadcast_in_dim3A_119 : vector<16x1xi32> to vector<16xi32>
        %gather3A_121 = tpu.dynamic_gather %add3A_118[%gather3A_120] in [0] : vector<16xf32>, vector<16xi32> -> vector<16xf32>
        %add3A_122 = arith.addf %add3A_118, %gather3A_121 : vector<16xf32>
        %broadcast_in_dim3A_123 = vector.shape_cast %xor3A_39 : vector<16xi32> to vector<16x1xi32>
        %gather3A_124 = vector.shape_cast %broadcast_in_dim3A_123 : vector<16x1xi32> to vector<16xi32>
        %gather3A_125 = tpu.dynamic_gather %add3A_122[%gather3A_124] in [0] : vector<16xf32>, vector<16xi32> -> vector<16xf32>
        %add3A_126 = arith.addf %add3A_122, %gather3A_125 : vector<16xf32>
        %broadcast_in_dim3A_127 = vector.shape_cast %xor3A_42 : vector<16xi32> to vector<16x1xi32>
        %gather3A_128 = vector.shape_cast %broadcast_in_dim3A_127 : vector<16x1xi32> to vector<16xi32>
        %gather3A_129 = tpu.dynamic_gather %add3A_126[%gather3A_128] in [0] : vector<16xf32>, vector<16xi32> -> vector<16xf32>
        %add3A_130 = arith.addf %add3A_126, %gather3A_129 : vector<16xf32>
        %exp3A = math.exp %add3A_130 : vector<16xf32>
        %mul3A_131 = arith.mulf %get3A_91, %exp3A : vector<16xf32>
        %swap3A = arith.index_cast %scan3A_86 : i32 to index
        %swap3A_132 = arith.constant 0 : index
        %swap3A_133 = tpu.vector_load %arg13[%swap3A, %swap3A_132] {strides = array<i32>} : memref<128x48xf32, #tpu.memory_space<vmem>>, vector<1x16xf32>,
        %swap3A_134 = vector.shape_cast %swap3A_133 : vector<1x16xf32> to vector<16xf32>
        %swap3A_135 = vector.shape_cast %mul3A_131 : vector<16xf32> to vector<1x16xf32>
        tpu.vector_store %arg13[%swap3A, %swap3A_132], %swap3A_135 {strides = array<i32>} : memref<128x48xf32, #tpu.memory_space<vmem>>, vector<1x16xf32>,
        %mul3A_136 = arith.mulf %get3A_104, %exp3A : vector<16xf32>
        %swap3A_137 = arith.index_cast %scan3A_86 : i32 to index
        %swap3A_138 = arith.constant 16 : index
        %swap3A_139 = tpu.vector_load %arg13[%swap3A_137, %swap3A_138] {strides = array<i32>} : memref<128x48xf32, #tpu.memory_space<vmem>>, vector<1x16xf32>,
        %swap3A_140 = vector.shape_cast %swap3A_139 : vector<1x16xf32> to vector<16xf32>
        %swap3A_141 = vector.shape_cast %mul3A_136 : vector<16xf32> to vector<1x16xf32>
        tpu.vector_store %arg13[%swap3A_137, %swap3A_138], %swap3A_141 {strides = array<i32>} : memref<128x48xf32, #tpu.memory_space<vmem>>, vector<1x16xf32>,
        %select_n3A = arith.select %eq3A_31, %exp3A, %broadcast_in_dim3A_0 : vector<16xi1>, vector<16xf32>
        %swap3A_142 = arith.index_cast %scan3A_86 : i32 to index
        %swap3A_143 = arith.constant 32 : index
        %swap3A_144 = tpu.vector_load %arg13[%swap3A_142, %swap3A_143] {strides = array<i32>} : memref<128x48xf32, #tpu.memory_space<vmem>>, vector<1x16xf32>,
        %swap3A_145 = vector.shape_cast %swap3A_144 : vector<1x16xf32> to vector<16xf32>
        %swap3A_146 = vector.shape_cast %select_n3A : vector<16xf32> to vector<1x16xf32>
        tpu.vector_store %arg13[%swap3A_142, %swap3A_143], %swap3A_146 {strides = array<i32>} : memref<128x48xf32, #tpu.memory_space<vmem>>, vector<1x16xf32>,
        %scan3A_147 = arith.constant 0 : i32
        scf.yield %scan3A_147 : i32
      }
      %scan3A_84 = arith.constant 128 : i32
      "tpu.region"() ({
        %run_scoped3A = tpu.sem_alloc : memref<!tpu.dma_semaphore, #tpu.memory_space<semaphore_mem>>
        %dma_start3A_86 = arith.constant 0 : i32
        %dma_start3A_87 = arith.constant 0 : i32
        %dma_start3A_88 = tpu.memref_slice %arg15[%dma_start3A_86, %dma_start3A_87] : memref<10240x48xf32, #tpu.memory_space<vmem_shared>> -> memref<10240x48xf32, #tpu.memory_space<vmem_shared>>
        tpu.enqueue_indirect_dma source(%arg13 : memref<128x48xf32, #tpu.memory_space<vmem>>) target(%dma_start3A_88 : memref<10240x48xf32, #tpu.memory_space<vmem_shared>>) offsets(%arg9 : memref<128xi32, #tpu.memory_space<vmem>>) semaphore(%run_scoped3A : memref<!tpu.dma_semaphore, #tpu.memory_space<semaphore_mem>>) {add = true}
        %dma_wait3A_89 = arith.constant 0 : i32
        %dma_wait3A_90 = arith.constant 0 : i32
        %dma_wait3A_91 = tpu.memref_slice %arg15[%dma_wait3A_89, %dma_wait3A_90] : memref<10240x48xf32, #tpu.memory_space<vmem_shared>> -> memref<10240x48xf32, #tpu.memory_space<vmem_shared>>
        tpu.wait_indirect_dma semaphore(%run_scoped3A : memref<!tpu.dma_semaphore, #tpu.memory_space<semaphore_mem>>) src(%arg13 : memref<128x48xf32, #tpu.memory_space<vmem>>) dst(%dma_wait3A_91 : memref<10240x48xf32, #tpu.memory_space<vmem_shared>>)
        tpu.yield
      }) : () -> ()
      %scan3A_85 = arith.constant 0 : i32
      scf.yield %scan3A_85 : i32
    }
    %scan3A_54 = arith.constant 81 : i32
    %barrier3A_55 = arith.constant 0 : index
    tpu.barrier barrier_id(%barrier3A_55)
    %mul3A_56 = arith.constant 640 : i32
    %mul3A_57 = arith.muli %arg1, %mul3A_56 : i32
    %mul3A_58 = arith.constant 10240 : i32
    %mul3A_59 = arith.muli %arg0, %mul3A_58 : i32
    %mul3A_60 = arith.constant 640 : i32
    %mul3A_61 = arith.muli %arg1, %mul3A_60 : i32
    %add3A_62 = arith.addi %mul3A_59, %mul3A_61 : i32
    "tpu.region"() ({
      %run_scoped3A = tpu.sem_alloc : memref<!tpu.dma_semaphore, #tpu.memory_space<semaphore_mem>>
      %dma_start3A = arith.constant 0 : i32
      %dma_start3A_63 = tpu.memref_slice %arg7[%add3A_62, %dma_start3A] : memref<20480x48xf32, #tpu.memory_space<hbm>> -> memref<640x48xf32, #tpu.memory_space<hbm>>
      %dma_start3A_64 = arith.constant 0 : i32
      %dma_start3A_65 = tpu.memref_slice %arg15[%mul3A_57, %dma_start3A_64] : memref<10240x48xf32, #tpu.memory_space<vmem_shared>> -> memref<640x48xf32, #tpu.memory_space<vmem_shared>>
      tpu.enqueue_dma source(%dma_start3A_65 : memref<640x48xf32, #tpu.memory_space<vmem_shared>>) target(%dma_start3A_63 : memref<640x48xf32, #tpu.memory_space<hbm>>) target_semaphore(%run_scoped3A : memref<!tpu.dma_semaphore, #tpu.memory_space<semaphore_mem>>)
      %dma_wait3A = arith.constant 0 : i32
      %dma_wait3A_66 = tpu.memref_slice %arg7[%add3A_62, %dma_wait3A] : memref<20480x48xf32, #tpu.memory_space<hbm>> -> memref<640x48xf32, #tpu.memory_space<hbm>>
      %dma_wait3A_67 = arith.constant 0 : i32
      %dma_wait3A_68 = tpu.memref_slice %arg15[%mul3A_57, %dma_wait3A_67] : memref<10240x48xf32, #tpu.memory_space<vmem_shared>> -> memref<640x48xf32, #tpu.memory_space<vmem_shared>>
      tpu.wait_dma2 semaphore(%run_scoped3A : memref<!tpu.dma_semaphore, #tpu.memory_space<semaphore_mem>>) src(%dma_wait3A_68 : memref<640x48xf32, #tpu.memory_space<vmem_shared>>) dst(%dma_wait3A_66 : memref<640x48xf32, #tpu.memory_space<hbm>>)
      tpu.yield
    }) : () -> ()
    return
  }
}

module attributes {stable_mosaic.version = 14 : i64} {
  func.func @_proj_body(%arg0: i32, %arg1: memref<1024x128xf32, #tpu.memory_space<vmem>>, %arg2: memref<128x128xf32, #tpu.memory_space<vmem>>, %arg3: memref<128x128xf32, #tpu.memory_space<vmem>>, %arg4: memref<1024x128xf32, #tpu.memory_space<vmem>>, %arg5: memref<1024x128xf32, #tpu.memory_space<vmem>>) attributes {dimension_semantics = [#tpu.dimension_semantics<arbitrary>], iteration_bounds = array<i64: 10>, scalar_prefetch = 0 : i64, scratch_operands = 0 : i64, tpu.core_type = #tpu.core_type<tc>, window_params = [{transform_indices = @transform_0, window_bounds = array<i64: 1024, 128>}, {pipeline_mode = #tpu.pipeline_mode<synchronous>, transform_indices = @transform_1, window_bounds = array<i64: 128, 128>}, {pipeline_mode = #tpu.pipeline_mode<synchronous>, transform_indices = @transform_2, window_bounds = array<i64: 128, 128>}, {transform_indices = @transform_3, window_bounds = array<i64: 1024, 128>}, {transform_indices = @transform_4, window_bounds = array<i64: 1024, 128>}]} {
    %get3A = arith.constant 0 : index
    %get3A_0 = arith.constant 0 : index
    %get3A_1 = vector.load %arg1[%get3A, %get3A_0] : memref<1024x128xf32, #tpu.memory_space<vmem>>, vector<1024x128xf32>
    %get3A_2 = arith.constant 0 : index
    %get3A_3 = arith.constant 0 : index
    %get3A_4 = vector.load %arg2[%get3A_2, %get3A_3] : memref<128x128xf32, #tpu.memory_space<vmem>>, vector<128x128xf32>
    %dot_general3A = arith.constant dense<0.000000e+00> : vector<1024x128xf32>
    %dot_general3A_5 = tpu.matmul %get3A_1, %get3A_4, %dot_general3A {dimension_numbers = #tpu.dot_dimension_numbers<[1], [0], [0], [1], [0, 0, 1, 1], [], []>, transpose_lhs_hint = false} : vector<1024x128xf32>, vector<128x128xf32>, vector<1024x128xf32> -> vector<1024x128xf32>
    %swap3A = arith.constant 0 : index
    %swap3A_6 = arith.constant 0 : index
    %swap3A_7 = vector.load %arg4[%swap3A, %swap3A_6] : memref<1024x128xf32, #tpu.memory_space<vmem>>, vector<1024x128xf32>
    tpu.vector_store %arg4[%swap3A, %swap3A_6], %dot_general3A_5 {strides = array<i32>} : memref<1024x128xf32, #tpu.memory_space<vmem>>, vector<1024x128xf32>,
    %get3A_8 = arith.constant 0 : index
    %get3A_9 = arith.constant 0 : index
    %get3A_10 = vector.load %arg3[%get3A_8, %get3A_9] : memref<128x128xf32, #tpu.memory_space<vmem>>, vector<128x128xf32>
    %dot_general3A_11 = arith.constant dense<0.000000e+00> : vector<1024x128xf32>
    %dot_general3A_12 = tpu.matmul %get3A_1, %get3A_10, %dot_general3A_11 {dimension_numbers = #tpu.dot_dimension_numbers<[1], [0], [0], [1], [0, 0, 1, 1], [], []>, transpose_lhs_hint = false} : vector<1024x128xf32>, vector<128x128xf32>, vector<1024x128xf32> -> vector<1024x128xf32>
    %swap3A_13 = arith.constant 0 : index
    %swap3A_14 = arith.constant 0 : index
    %swap3A_15 = vector.load %arg5[%swap3A_13, %swap3A_14] : memref<1024x128xf32, #tpu.memory_space<vmem>>, vector<1024x128xf32>
    tpu.vector_store %arg5[%swap3A_13, %swap3A_14], %dot_general3A_12 {strides = array<i32>} : memref<1024x128xf32, #tpu.memory_space<vmem>>, vector<1024x128xf32>,
    return
  }
  func.func @transform_0(%arg0: i32) -> (i32, i32) {
    %c0_i32 = arith.constant 0 : i32
    %c0_i32_0 = arith.constant 0 : i32
    return %arg0, %c0_i32 : i32, i32
  }
  func.func @transform_1(%arg0: i32) -> (i32, i32) {
    %c0_i32 = arith.constant 0 : i32
    %c0_i32_0 = arith.constant 0 : i32
    %c0_i32_1 = arith.constant 0 : i32
    return %c0_i32, %c0_i32_0 : i32, i32
  }
  func.func @transform_2(%arg0: i32) -> (i32, i32) {
    %c0_i32 = arith.constant 0 : i32
    %c0_i32_0 = arith.constant 0 : i32
    %c0_i32_1 = arith.constant 0 : i32
    return %c0_i32, %c0_i32_0 : i32, i32
  }
  func.func @transform_3(%arg0: i32) -> (i32, i32) {
    %c0_i32 = arith.constant 0 : i32
    %c0_i32_0 = arith.constant 0 : i32
    return %arg0, %c0_i32 : i32, i32
  }
  func.func @transform_4(%arg0: i32) -> (i32, i32) {
    %c0_i32 = arith.constant 0 : i32
    %c0_i32_0 = arith.constant 0 : i32
    return %arg0, %c0_i32 : i32, i32
  }
}

module attributes {stable_mosaic.version = 14 : i64} {
  func.func @_mid_body(%arg0: i32, %arg1: memref<1024x144xf32, #tpu.memory_space<vmem>>, %arg2: memref<1x128xf32, #tpu.memory_space<vmem>>, %arg3: memref<128x32xf32, #tpu.memory_space<vmem>>, %arg4: memref<128x32xf32, #tpu.memory_space<vmem>>, %arg5: memref<1024x32xf32, #tpu.memory_space<vmem>>, %arg6: memref<1024x32xf32, #tpu.memory_space<vmem>>) attributes {dimension_semantics = [#tpu.dimension_semantics<arbitrary>], iteration_bounds = array<i64: 10>, scalar_prefetch = 0 : i64, scratch_operands = 0 : i64, tpu.core_type = #tpu.core_type<tc>, window_params = [{transform_indices = @transform_0, window_bounds = array<i64: 1024, 144>}, {pipeline_mode = #tpu.pipeline_mode<synchronous>, transform_indices = @transform_1, window_bounds = array<i64: 1, 128>}, {pipeline_mode = #tpu.pipeline_mode<synchronous>, transform_indices = @transform_2, window_bounds = array<i64: 128, 32>}, {pipeline_mode = #tpu.pipeline_mode<synchronous>, transform_indices = @transform_3, window_bounds = array<i64: 128, 32>}, {transform_indices = @transform_4, window_bounds = array<i64: 1024, 32>}, {transform_indices = @transform_5, window_bounds = array<i64: 1024, 32>}]} {
    %get3A = arith.constant 0 : index
    %get3A_0 = arith.constant 0 : index
    %get3A_1 = vector.load %arg1[%get3A, %get3A_0] : memref<1024x144xf32, #tpu.memory_space<vmem>>, vector<1024x144xf32>
    %slice3A = vector.extract_strided_slice %get3A_1 {offsets = [0, 128], sizes = [1024, 1], strides = [1, 1]} : vector<1024x144xf32> to vector<1024x1xf32>
    %max3A = arith.constant 1.000000e-30 : f32
    %max3A_2 = vector.broadcast %max3A : f32 to vector<1024x1xf32>
    %max3A_3 = arith.maximumf %slice3A, %max3A_2 : vector<1024x1xf32>
    %slice3A_4 = vector.extract_strided_slice %get3A_1 {offsets = [0, 0], sizes = [1024, 128], strides = [1, 1]} : vector<1024x144xf32> to vector<1024x128xf32>
    %div3A = vector.broadcast %max3A_3 : vector<1024x1xf32> to vector<1024x128xf32>
    %div3A_5 = arith.divf %slice3A_4, %div3A : vector<1024x128xf32>
    %get3A_6 = arith.constant 0 : index
    %get3A_7 = arith.constant 0 : index
    %get3A_8 = vector.load %arg2[%get3A_6, %get3A_7] : memref<1x128xf32, #tpu.memory_space<vmem>>, vector<1x128xf32>
    %add3A = vector.broadcast %get3A_8 : vector<1x128xf32> to vector<1024x128xf32>
    %add3A_9 = arith.addf %div3A_5, %add3A : vector<1024x128xf32>
    %gt3A = arith.constant 0.000000e+00 : f32
    %gt3A_10 = vector.broadcast %gt3A : f32 to vector<1024x128xf32>
    %gt3A_11 = arith.cmpf ogt, %add3A_9, %gt3A_10 : vector<1024x128xf32>
    %min3A = arith.constant 0.000000e+00 : f32
    %min3A_12 = vector.broadcast %min3A : f32 to vector<1024x128xf32>
    %min3A_13 = arith.minimumf %add3A_9, %min3A_12 : vector<1024x128xf32>
    %exp3A = math.exp %min3A_13 : vector<1024x128xf32>
    %sub3A = arith.constant 1.000000e+00 : f32
    %sub3A_14 = vector.broadcast %sub3A : f32 to vector<1024x128xf32>
    %sub3A_15 = arith.subf %exp3A, %sub3A_14 : vector<1024x128xf32>
    %select_n3A = arith.select %gt3A_11, %add3A_9, %sub3A_15 : vector<1024x128xi1>, vector<1024x128xf32>
    %get3A_16 = arith.constant 0 : index
    %get3A_17 = arith.constant 0 : index
    %get3A_18 = vector.load %arg3[%get3A_16, %get3A_17] : memref<128x32xf32, #tpu.memory_space<vmem>>, vector<128x32xf32>
    %dot_general3A = arith.constant dense<0.000000e+00> : vector<1024x32xf32>
    %dot_general3A_19 = tpu.matmul %select_n3A, %get3A_18, %dot_general3A {dimension_numbers = #tpu.dot_dimension_numbers<[1], [0], [0], [1], [0, 0, 1, 1], [], []>, transpose_lhs_hint = false} : vector<1024x128xf32>, vector<128x32xf32>, vector<1024x32xf32> -> vector<1024x32xf32>
    %swap3A = arith.constant 0 : index
    %swap3A_20 = arith.constant 0 : index
    %swap3A_21 = vector.load %arg5[%swap3A, %swap3A_20] : memref<1024x32xf32, #tpu.memory_space<vmem>>, vector<1024x32xf32>
    tpu.vector_store %arg5[%swap3A, %swap3A_20], %dot_general3A_19 {strides = array<i32>} : memref<1024x32xf32, #tpu.memory_space<vmem>>, vector<1024x32xf32>,
    %get3A_22 = arith.constant 0 : index
    %get3A_23 = arith.constant 0 : index
    %get3A_24 = vector.load %arg4[%get3A_22, %get3A_23] : memref<128x32xf32, #tpu.memory_space<vmem>>, vector<128x32xf32>
    %dot_general3A_25 = arith.constant dense<0.000000e+00> : vector<1024x32xf32>
    %dot_general3A_26 = tpu.matmul %select_n3A, %get3A_24, %dot_general3A_25 {dimension_numbers = #tpu.dot_dimension_numbers<[1], [0], [0], [1], [0, 0, 1, 1], [], []>, transpose_lhs_hint = false} : vector<1024x128xf32>, vector<128x32xf32>, vector<1024x32xf32> -> vector<1024x32xf32>
    %swap3A_27 = arith.constant 0 : index
    %swap3A_28 = arith.constant 0 : index
    %swap3A_29 = vector.load %arg6[%swap3A_27, %swap3A_28] : memref<1024x32xf32, #tpu.memory_space<vmem>>, vector<1024x32xf32>
    tpu.vector_store %arg6[%swap3A_27, %swap3A_28], %dot_general3A_26 {strides = array<i32>} : memref<1024x32xf32, #tpu.memory_space<vmem>>, vector<1024x32xf32>,
    return
  }
  func.func @transform_0(%arg0: i32) -> (i32, i32) {
    %c0_i32 = arith.constant 0 : i32
    %c0_i32_0 = arith.constant 0 : i32
    return %arg0, %c0_i32 : i32, i32
  }
  func.func @transform_1(%arg0: i32) -> (i32, i32) {
    %c0_i32 = arith.constant 0 : i32
    %c0_i32_0 = arith.constant 0 : i32
    %c0_i32_1 = arith.constant 0 : i32
    return %c0_i32, %c0_i32_0 : i32, i32
  }
  func.func @transform_2(%arg0: i32) -> (i32, i32) {
    %c0_i32 = arith.constant 0 : i32
    %c0_i32_0 = arith.constant 0 : i32
    %c0_i32_1 = arith.constant 0 : i32
    return %c0_i32, %c0_i32_0 : i32, i32
  }
  func.func @transform_3(%arg0: i32) -> (i32, i32) {
    %c0_i32 = arith.constant 0 : i32
    %c0_i32_0 = arith.constant 0 : i32
    %c0_i32_1 = arith.constant 0 : i32
    return %c0_i32, %c0_i32_0 : i32, i32
  }
  func.func @transform_4(%arg0: i32) -> (i32, i32) {
    %c0_i32 = arith.constant 0 : i32
    %c0_i32_0 = arith.constant 0 : i32
    return %arg0, %c0_i32 : i32, i32
  }
  func.func @transform_5(%arg0: i32) -> (i32, i32) {
    %c0_i32 = arith.constant 0 : i32
    %c0_i32_0 = arith.constant 0 : i32
    return %arg0, %c0_i32 : i32, i32
  }
}

module attributes {stable_mosaic.version = 14 : i64} {
  func.func @_head_body(%arg0: memref<10240x48xf32, #tpu.memory_space<vmem>>, %arg1: memref<10240x48xf32, #tpu.memory_space<vmem>>, %arg2: memref<10240x1xi32, #tpu.memory_space<vmem>>, %arg3: memref<64x5xf32, #tpu.memory_space<vmem>>, %arg4: memref<64x1xf32, #tpu.memory_space<vmem>>, %arg5: memref<64x1xf32, #tpu.memory_space<vmem>>, %arg6: memref<1x32xf32, #tpu.memory_space<vmem>>, %arg7: memref<5x32xf32, #tpu.memory_space<vmem>>, %arg8: memref<1x32xf32, #tpu.memory_space<vmem>>, %arg9: memref<32x8xf32, #tpu.memory_space<vmem>>, %arg10: memref<1x8xf32, #tpu.memory_space<vmem>>, %arg11: memref<1x4xf32, #tpu.memory_space<vmem>>, %arg12: memref<1x4xf32, #tpu.memory_space<vmem>>, %arg13: memref<45x256xf32, #tpu.memory_space<vmem>>, %arg14: memref<1x256xf32, #tpu.memory_space<vmem>>, %arg15: memref<256x1xf32, #tpu.memory_space<vmem>>, %arg16: memref<1x1xf32, #tpu.memory_space<vmem>>, %arg17: memref<64x1xf32, #tpu.memory_space<vmem>>) attributes {dimension_semantics = [], scalar_prefetch = 0 : i64, scratch_operands = 0 : i64, tpu.core_type = #tpu.core_type<tc>} {
    %get3A = arith.constant 0 : index
    %get3A_0 = arith.constant 0 : index
    %get3A_1 = vector.load %arg0[%get3A, %get3A_0] : memref<10240x48xf32, #tpu.memory_space<vmem>>, vector<10240x48xf32>
    %get3A_2 = arith.constant 0 : index
    %get3A_3 = arith.constant 0 : index
    %get3A_4 = vector.load %arg1[%get3A_2, %get3A_3] : memref<10240x48xf32, #tpu.memory_space<vmem>>, vector<10240x48xf32>
    %add3A = arith.addf %get3A_1, %get3A_4 : vector<10240x48xf32>
    %slice3A = vector.extract_strided_slice %add3A {offsets = [0, 32], sizes = [10240, 1], strides = [1, 1]} : vector<10240x48xf32> to vector<10240x1xf32>
    %max3A = arith.constant 1.000000e-30 : f32
    %max3A_5 = vector.broadcast %max3A : f32 to vector<10240x1xf32>
    %max3A_6 = arith.maximumf %slice3A, %max3A_5 : vector<10240x1xf32>
    %slice3A_7 = vector.extract_strided_slice %add3A {offsets = [0, 0], sizes = [10240, 32], strides = [1, 1]} : vector<10240x48xf32> to vector<10240x32xf32>
    %div3A = vector.broadcast %max3A_6 : vector<10240x1xf32> to vector<10240x32xf32>
    %div3A_8 = arith.divf %slice3A_7, %div3A : vector<10240x32xf32>
    %get3A_9 = arith.constant 0 : index
    %get3A_10 = arith.constant 0 : index
    %get3A_11 = vector.load %arg6[%get3A_9, %get3A_10] : memref<1x32xf32, #tpu.memory_space<vmem>>, vector<1x32xf32>
    %add3A_12 = vector.broadcast %get3A_11 : vector<1x32xf32> to vector<10240x32xf32>
    %add3A_13 = arith.addf %div3A_8, %add3A_12 : vector<10240x32xf32>
    %gt3A = arith.constant 0.000000e+00 : f32
    %gt3A_14 = vector.broadcast %gt3A : f32 to vector<10240x32xf32>
    %gt3A_15 = arith.cmpf ogt, %add3A_13, %gt3A_14 : vector<10240x32xf32>
    %min3A = arith.constant 0.000000e+00 : f32
    %min3A_16 = vector.broadcast %min3A : f32 to vector<10240x32xf32>
    %min3A_17 = arith.minimumf %add3A_13, %min3A_16 : vector<10240x32xf32>
    %exp3A = math.exp %min3A_17 : vector<10240x32xf32>
    %sub3A = arith.constant 1.000000e+00 : f32
    %sub3A_18 = vector.broadcast %sub3A : f32 to vector<10240x32xf32>
    %sub3A_19 = arith.subf %exp3A, %sub3A_18 : vector<10240x32xf32>
    %select_n3A = arith.select %gt3A_15, %add3A_13, %sub3A_19 : vector<10240x32xi1>, vector<10240x32xf32>
    %get3A_20 = arith.constant 0 : index
    %get3A_21 = arith.constant 0 : index
    %get3A_22 = vector.load %arg2[%get3A_20, %get3A_21] : memref<10240x1xi32, #tpu.memory_space<vmem>>, vector<10240x1xi32>
    %iota3A = tpu.iota {dimensions = array<i32: 1>} : vector<10240x64xi32>
    %eq3A = vector.broadcast %get3A_22 : vector<10240x1xi32> to vector<10240x64xi32>
    %eq3A_23 = arith.cmpi eq, %eq3A, %iota3A : vector<10240x64xi32>
    %convert_element_type3A = arith.extui %eq3A_23 : vector<10240x64xi1> to vector<10240x64xi32>
    %convert_element_type3A_24 = arith.sitofp %convert_element_type3A : vector<10240x64xi32> to vector<10240x64xf32>
    %dot_general3A = arith.constant dense<0.000000e+00> : vector<64x32xf32>
    %dot_general3A_25 = tpu.matmul %convert_element_type3A_24, %select_n3A, %dot_general3A {dimension_numbers = #tpu.dot_dimension_numbers<[0], [0], [1], [1], [0, 1, 1, 1], [], []>, transpose_lhs_hint = false} : vector<10240x64xf32>, vector<10240x32xf32>, vector<64x32xf32> -> vector<64x32xf32>
    %reduce_sum3A = arith.constant dense<0.000000e+00> : vector<64xf32>
    %reduce_sum3A_26 = vector.multi_reduction <add>, %convert_element_type3A_24, %reduce_sum3A [0] : vector<10240x64xf32> to vector<64xf32>
    %broadcast_in_dim3A = vector.shape_cast %reduce_sum3A_26 : vector<64xf32> to vector<64x1xf32>
    %max3A_27 = arith.constant 1.000000e+00 : f32
    %max3A_28 = vector.broadcast %max3A_27 : f32 to vector<64x1xf32>
    %max3A_29 = arith.maximumf %broadcast_in_dim3A, %max3A_28 : vector<64x1xf32>
    %div3A_30 = vector.broadcast %max3A_29 : vector<64x1xf32> to vector<64x32xf32>
    %div3A_31 = arith.divf %dot_general3A_25, %div3A_30 : vector<64x32xf32>
    %get3A_32 = arith.constant 0 : index
    %get3A_33 = arith.constant 0 : index
    %get3A_34 = vector.load %arg3[%get3A_32, %get3A_33] : memref<64x5xf32, #tpu.memory_space<vmem>>, vector<64x5xf32>
    %get3A_35 = arith.constant 0 : index
    %get3A_36 = arith.constant 0 : index
    %get3A_37 = vector.load %arg7[%get3A_35, %get3A_36] : memref<5x32xf32, #tpu.memory_space<vmem>>, vector<5x32xf32>
    %dot_general3A_38 = arith.constant dense<0.000000e+00> : vector<64x32xf32>
    %dot_general3A_39 = tpu.matmul %get3A_34, %get3A_37, %dot_general3A_38 {dimension_numbers = #tpu.dot_dimension_numbers<[1], [0], [0], [1], [0, 0, 1, 1], [], []>, transpose_lhs_hint = false} : vector<64x5xf32>, vector<5x32xf32>, vector<64x32xf32> -> vector<64x32xf32>
    %get3A_40 = arith.constant 0 : index
    %get3A_41 = arith.constant 0 : index
    %get3A_42 = vector.load %arg8[%get3A_40, %get3A_41] : memref<1x32xf32, #tpu.memory_space<vmem>>, vector<1x32xf32>
    %add3A_43 = vector.broadcast %get3A_42 : vector<1x32xf32> to vector<64x32xf32>
    %add3A_44 = arith.addf %dot_general3A_39, %add3A_43 : vector<64x32xf32>
    %max3A_45 = arith.constant 0.000000e+00 : f32
    %max3A_46 = vector.broadcast %max3A_45 : f32 to vector<64x32xf32>
    %max3A_47 = arith.maximumf %add3A_44, %max3A_46 : vector<64x32xf32>
    %get3A_48 = arith.constant 0 : index
    %get3A_49 = arith.constant 0 : index
    %get3A_50 = vector.load %arg9[%get3A_48, %get3A_49] : memref<32x8xf32, #tpu.memory_space<vmem>>, vector<32x8xf32>
    %dot_general3A_51 = arith.constant dense<0.000000e+00> : vector<64x8xf32>
    %dot_general3A_52 = tpu.matmul %max3A_47, %get3A_50, %dot_general3A_51 {dimension_numbers = #tpu.dot_dimension_numbers<[1], [0], [0], [1], [0, 0, 1, 1], [], []>, transpose_lhs_hint = false} : vector<64x32xf32>, vector<32x8xf32>, vector<64x8xf32> -> vector<64x8xf32>
    %get3A_53 = arith.constant 0 : index
    %get3A_54 = arith.constant 0 : index
    %get3A_55 = vector.load %arg10[%get3A_53, %get3A_54] : memref<1x8xf32, #tpu.memory_space<vmem>>, vector<1x8xf32>
    %add3A_56 = vector.broadcast %get3A_55 : vector<1x8xf32> to vector<64x8xf32>
    %add3A_57 = arith.addf %dot_general3A_52, %add3A_56 : vector<64x8xf32>
    %get3A_58 = arith.constant 0 : index
    %get3A_59 = arith.constant 0 : index
    %get3A_60 = vector.load %arg4[%get3A_58, %get3A_59] : memref<64x1xf32, #tpu.memory_space<vmem>>, vector<64x1xf32>
    %get3A_61 = arith.constant 0 : index
    %get3A_62 = arith.constant 0 : index
    %get3A_63 = vector.load %arg11[%get3A_61, %get3A_62] : memref<1x4xf32, #tpu.memory_space<vmem>>, vector<1x4xf32>
    %dot_general3A_64 = arith.constant dense<0.000000e+00> : vector<64x4xf32>
    %dot_general3A_65 = tpu.matmul %get3A_60, %get3A_63, %dot_general3A_64 {dimension_numbers = #tpu.dot_dimension_numbers<[1], [0], [0], [1], [0, 0, 1, 1], [], []>, transpose_lhs_hint = false} : vector<64x1xf32>, vector<1x4xf32>, vector<64x4xf32> -> vector<64x4xf32>
    %get3A_66 = arith.constant 0 : index
    %get3A_67 = arith.constant 0 : index
    %get3A_68 = vector.load %arg12[%get3A_66, %get3A_67] : memref<1x4xf32, #tpu.memory_space<vmem>>, vector<1x4xf32>
    %add3A_69 = vector.broadcast %get3A_68 : vector<1x4xf32> to vector<64x4xf32>
    %add3A_70 = arith.addf %dot_general3A_65, %add3A_69 : vector<64x4xf32>
    %get3A_71 = arith.constant 0 : index
    %get3A_72 = arith.constant 0 : index
    %get3A_73 = vector.load %arg5[%get3A_71, %get3A_72] : memref<64x1xf32, #tpu.memory_space<vmem>>, vector<64x1xf32>
    %concatenate3A = tpu.concatenate %div3A_31, %add3A_57, %add3A_70, %get3A_73 in 1 : vector<64x32xf32>, vector<64x8xf32>, vector<64x4xf32>, vector<64x1xf32> -> vector<64x45xf32>
    %get3A_74 = arith.constant 0 : index
    %get3A_75 = arith.constant 0 : index
    %get3A_76 = vector.load %arg13[%get3A_74, %get3A_75] : memref<45x256xf32, #tpu.memory_space<vmem>>, vector<45x256xf32>
    %dot_general3A_77 = arith.constant dense<0.000000e+00> : vector<64x256xf32>
    %dot_general3A_78 = tpu.matmul %concatenate3A, %get3A_76, %dot_general3A_77 {dimension_numbers = #tpu.dot_dimension_numbers<[1], [0], [0], [1], [0, 0, 1, 1], [], []>, transpose_lhs_hint = false} : vector<64x45xf32>, vector<45x256xf32>, vector<64x256xf32> -> vector<64x256xf32>
    %get3A_79 = arith.constant 0 : index
    %get3A_80 = arith.constant 0 : index
    %get3A_81 = vector.load %arg14[%get3A_79, %get3A_80] : memref<1x256xf32, #tpu.memory_space<vmem>>, vector<1x256xf32>
    %add3A_82 = vector.broadcast %get3A_81 : vector<1x256xf32> to vector<64x256xf32>
    %add3A_83 = arith.addf %dot_general3A_78, %add3A_82 : vector<64x256xf32>
    %max3A_84 = arith.constant 0.000000e+00 : f32
    %max3A_85 = vector.broadcast %max3A_84 : f32 to vector<64x256xf32>
    %max3A_86 = arith.maximumf %add3A_83, %max3A_85 : vector<64x256xf32>
    %get3A_87 = arith.constant 0 : index
    %get3A_88 = arith.constant 0 : index
    %get3A_89 = vector.load %arg15[%get3A_87, %get3A_88] : memref<256x1xf32, #tpu.memory_space<vmem>>, vector<256x1xf32>
    %dot_general3A_90 = arith.constant dense<0.000000e+00> : vector<64x1xf32>
    %dot_general3A_91 = tpu.matmul %max3A_86, %get3A_89, %dot_general3A_90 {dimension_numbers = #tpu.dot_dimension_numbers<[1], [0], [0], [1], [0, 0, 1, 1], [], []>, transpose_lhs_hint = false} : vector<64x256xf32>, vector<256x1xf32>, vector<64x1xf32> -> vector<64x1xf32>
    %get3A_92 = arith.constant 0 : index
    %get3A_93 = arith.constant 0 : index
    %get3A_94 = vector.load %arg16[%get3A_92, %get3A_93] : memref<1x1xf32, #tpu.memory_space<vmem>>, vector<1x1xf32>
    %add3A_95 = vector.broadcast %get3A_94 : vector<1x1xf32> to vector<64x1xf32>
    %add3A_96 = arith.addf %dot_general3A_91, %add3A_95 : vector<64x1xf32>
    %add3A_97 = arith.addf %get3A_73, %add3A_96 : vector<64x1xf32>
    %swap3A = arith.constant 0 : index
    %swap3A_98 = arith.constant 0 : index
    %swap3A_99 = vector.load %arg17[%swap3A, %swap3A_98] : memref<64x1xf32, #tpu.memory_space<vmem>>, vector<64x1xf32>
    tpu.vector_store %arg17[%swap3A, %swap3A_98], %add3A_97 {strides = array<i32>} : memref<64x1xf32, #tpu.memory_space<vmem>>, vector<64x1xf32>,
    return
  }
}

</mosaic_0001>

<sc_bundles>
// kernel: kernel.10.cloned.1.call-start
scs
__scs_entry_jumppad:
0x0: {  	(pc) =	sbr.rel $0x88, $3  }
0x1: {  	(tag) =	ssettag $0x0;
	lr =	simm.s32 $0x1  }
0x2: {  	[smem:$0x3F89] =	sst lr;
	_ =	strace $0xD0000000  }
0x3: {  	_ = 	snop  }
0x4: {  	_ = 	snop  }
0x5: {  	_ = 	snop  }
0x6: {  	_ = 	snop  }
0x7: {  	_ = 	snop  }
__scs_overlays_trampoline_lowered:
0x8: {  	[smem:$0x3F98] =	sst s0  }
0x9: {  	[smem:$0x3F99] =	sst s1  }
0xa: {  	[smem:$0x3F9A] =	sst s2  }
0xb: {  	[smem:$0x3F9B] =	sst s3  }
0xc: {  	[smem:$0x3F9C] =	sst s4  }
0xd: {  	[smem:$0x3F9D] =	sst s5  }
0xe: {  	[smem:$0x3F9E] =	sst s6  }
0xf: {  	[smem:$0x3F9F] =	sst s7  }
0x10: {  	[smem:$0x3FA0] =	sst s8  }
0x11: {  	[smem:$0x3FA1] =	sst s9;
	s0 =	simm.s32 @!p0 $0x0  }
0x12: {  	s1 =	sld [smem:$0x3F87];
	s0 =	simm.s32 @p0 $0x1  }
0x13: {  	[smem:$0x3FA2] =	sst s0;
	s0 =	simm.s32 @!p1 $0x0  }
0x14: {  	s2 =	sld [smem:$0x3F86];
	s0 =	simm.s32 @p1 $0x1  }
0x15: {  	[smem:$0x3FA3] =	sst s0;
	s0 =	simm.s32 @!p2 $0x0  }
0x16: {  	s3 =	sld [smem:$0x3FDB];
	s0 =	simm.s32 @p2 $0x1  }
0x17: {  	s4 =	simm.s32 $0x1BF5;
	[smem:$0x3FA5] =	sst s0  }
0x18: {  	s0 =	sld [smem:$0x3F88];
	_ =	swait.ge [sflag:s4], $0x0  }
0x19: {  	s7 =	sld [smem:$0x3F89]  }
0x1a: {  	s8 =	sadd.s32 $0xFFFFE003, lr  }
0x1b: {  	s9 =	sadd.s32 $0xFFFFFEF7, lr;
	s5 =	simm.s32 $0xFFFFFFFF;
	p2 =	slt.u32 s8, $0xFFFFF086  }
0x1c: {  	p1 =	slt.u32 s9, $0xF7A;
	s5 =	simm.s32 @!p2 $0x0  }
0x1d: {  	s5 =	simm.s32 @p1 $0x1;
	p0 =	seq.s32 s7, s2  }
0x1e: {  	s7 =	smul.u32 @!p0 $0xF7A, s2;
	p2 =	seq.s32 @!p0 s5, $0x0  }
0x1f: {  	s9 =	smul.u32 $0xF7A, s1;
	s8 =	simm.s32 @!p0 $0x1BF5;
	p2 =	por !p2, p0  }
0x20: {  	[sflag:s8] =	ssyncset.s32 @!p0 $0xFFFFF086;
	s6 =	sadd.s32 @!p0 s3, s7;
	s7 =	simm.s32 @!p0 $0x108  }
0x21: {  	s3 =	sadd.s32 s3, s9;
	s6 =	sadd.s32 @!p0 $0x88, s6;
	s7 =	simm.s32 @p2 $0x1082  }
0x22: {  	[simem:s7], [sflag:s8] =	dma.local @!p0 [hbm:s6], $0xF7A  }
0x23: {  	s9 =	sor.u32 $0xD0000000, s2;
	s6 =	simm.s32 $0x108;
	_ =	swait.ge @!p0 [sflag:s8], $0x0  }
0x24: {  	s3 =	sadd.s32 $0x88, s3;
	s6 =	simm.s32 @!p1 $0x1082;
	[sflag:s4] =	ssyncset.s32 $0xFFFFF086  }
0x25: {  	[simem:s6], [sflag:s4] =	dma.local [hbm:s3], $0xF7A  }
0x26: {  	[smem:$0x3F89] =	sst s1;
	(tag) =	ssettag s2;
	_ =	strace s9  }
0x27: {  	s1 =	sld [smem:$0x3F99]  }
0x28: {  	s2 =	sld [smem:$0x3F9A]  }
0x29: {  	s4 =	sld [smem:$0x3F9C]  }
0x2a: {  	p0 =	seq.s32 s5, $0x0;
	s5 =	sld [smem:$0x3F9D]  }
0x2b: {  	s6 =	sld [smem:$0x3F9E]  }
0x2c: {  	s7 =	sld [smem:$0x3F9F]  }
0x2d: {  	s3 =	simm.s32 $0x108;
	s8 =	sld [smem:$0x3FA0]  }
0x2e: {  	s3 =	simm.s32 @!p0 $0x1082;
	s9 =	sld [smem:$0x3FA1]  }
0x2f: {  	lr =	sadd.s32 s0, s3;
	s0 =	sld [smem:$0x3F98]  }
0x30: {  	s3 =	sld [smem:$0x3F9B]  }
0x31: {  	[smem:$0x3FA4] =	sst s10  }
0x32: {  	s10 =	sld [smem:$0x3FA2];
	_ =	sdelay $0x3  }
0x33: {  	p0 =	seq.s32 s10, $0x1;
	s10 =	sld [smem:$0x3FA4];
	_ =	sdelay $0x3  }
0x34: {  	[smem:$0x3FA4] =	sst s10  }
0x35: {  	s10 =	sld [smem:$0x3FA3];
	_ =	sdelay $0x3  }
0x36: {  	p1 =	seq.s32 s10, $0x1;
	s10 =	sld [smem:$0x3FA4];
	_ =	sdelay $0x3  }
0x37: {  	[smem:$0x3FA4] =	sst s10  }
0x38: {  	s10 =	sld [smem:$0x3FA5]  }
0x39: {  	_ = 	snop;
	(pc) =	sbr.ind lr, $3  }
0x3a: {  	_ = 	snop  }
0x3b: {  	_ = 	snop  }
0x3c: {  	p2 =	seq.s32 s10, $0x1;
	s10 =	sld [smem:$0x3FA4]  }
0x3d: {  	_ =	shalt  }
0x3e: {  	_ =	shalt  }
0x3f: {  	_ =	shalt  }
0x40: {  	_ =	shalt  }
0x41: {  	_ =	shalt  }
0x42: {  	_ =	shalt  }
0x43: {  	_ =	shalt  }
0x44: {  	_ =	shalt  }
0x45: {  	_ =	shalt  }
0x46: {  	_ =	shalt  }
0x47: {  	_ =	shalt  }
0x48: {  	_ =	shalt  }
0x49: {  	_ =	shalt  }
0x4a: {  	_ =	shalt  }
0x4b: {  	_ =	shalt  }
0x4c: {  	_ =	shalt  }
0x4d: {  	_ =	shalt  }
0x4e: {  	_ =	shalt  }
0x4f: {  	_ =	shalt  }
0x50: {  	_ =	shalt  }
0x51: {  	_ =	shalt  }
0x52: {  	_ =	shalt  }
0x53: {  	_ =	shalt  }
0x54: {  	_ =	shalt  }
0x55: {  	_ =	shalt  }
0x56: {  	_ =	shalt  }
0x57: {  	_ =	shalt  }
0x58: {  	_ =	shalt  }
0x59: {  	_ =	shalt  }
0x5a: {  	_ =	shalt  }
0x5b: {  	_ =	shalt  }
0x5c: {  	_ =	shalt  }
0x5d: {  	_ =	shalt  }
0x5e: {  	_ =	shalt  }
0x5f: {  	_ =	shalt  }
0x60: {  	_ =	shalt  }
0x61: {  	_ =	shalt  }
0x62: {  	_ =	shalt  }
0x63: {  	_ =	shalt  }
0x64: {  	_ =	shalt  }
0x65: {  	_ =	shalt  }
0x66: {  	_ =	shalt  }
0x67: {  	_ =	shalt  }
0x68: {  	_ =	shalt  }
0x69: {  	_ =	shalt  }
0x6a: {  	_ =	shalt  }
0x6b: {  	_ =	shalt  }
0x6c: {  	_ =	shalt  }
0x6d: {  	_ =	shalt  }
0x6e: {  	_ =	shalt  }
0x6f: {  	_ =	shalt  }
0x70: {  	_ =	shalt  }
0x71: {  	_ =	shalt  }
0x72: {  	_ =	shalt  }
0x73: {  	_ =	shalt  }
0x74: {  	_ =	shalt  }
0x75: {  	_ =	shalt  }
0x76: {  	_ =	shalt  }
0x77: {  	_ =	shalt  }
0x78: {  	_ =	shalt  }
0x79: {  	_ =	shalt  }
0x7a: {  	_ =	shalt  }
0x7b: {  	_ =	shalt  }
0x7c: {  	_ =	shalt  }
0x7d: {  	_ =	shalt  }
0x7e: {  	_ =	shalt  }
0x7f: {  	_ =	shalt  }
0x80: {  	_ =	shalt  }
0x81: {  	_ =	shalt  }
0x82: {  	_ =	shalt  }
0x83: {  	_ =	shalt  }
0x84: {  	_ =	shalt  }
0x85: {  	_ =	shalt  }
0x86: {  	_ =	shalt  }
0x87: {  	_ =	shalt  }
.Lfunc_end0:
.L_simem_size_0:
called_computation.1_lowered:
.L_overlay_start_0:
0x88: {  	s2 =	sld [smem:$0x3FD9]  }
0x89: {  	s3 =	sld [smem:$0x3FFE];
	_ =	sdelay $0x1  }
0x8a: {  	s1 =	srdreg.scid  }
0x8b: {  	s0 =	sand.u32 $0x1, s1  }
0x8c: {  	s17 =	sshll.u32 s0, $0xA;
	s2 =	sadd.s32 s3, s2  }
0x8d: {  	s2 =	sadd.s32 s2, s17  }
0x8e: {  	[smem:$0x3FB0] =	sst s2  }
0x8f: {  	_ = 	snop  }
0x90: {  	s2 =	sld [smem:$0x3FBD];
	(tm) =	ssettm $0x1  }
0x91: {  	s18 =	sld [smem:$0x3FFB];
	_ =	sdelay $0x3  }
0x92: {  	_ =	strace s18  }
0x93: {  	s3 =	sld [smem:$0x3FFC];
	_ =	sdelay $0x3  }
0x94: {  	_ =	strace s3  }
0x95: {  	s3 =	sld [smem:$0x3FFD];
	_ =	sdelay $0x3  }
0x96: {  	_ =	strace s3  }
0x97: {  	_ =	strace $0x8FFFFFFF  }
0x98: {  	s19 =	sld [smem:$0x3FDB];
	_ =	sdelay $0x1  }
0x99: {  	s4 =	simm.s32 $_scs_section_size  }
0x9a: {  	s5 =	simm.s32 $_size__tile_overlayer_lowered;
	s6 =	simm.s32 $_tile_overlayer_lowered  }
0x9b: {  	s22 =	simm.s32 $0x1BFF;
	s21 =	sshll.u32 s6, $0x1;
	s3 =	sadd.s32 s4, s19  }
0x9c: {  	s7 =	simm.s32 $0x0;
	s20 =	sshll.u32 s5, $0x1;
	s5 =	sadd.s32 s21, s3  }
0x9d: {  	[timem:s7], [sflag:s22] =	dma.local [hbm:s5], s20  }
0x9e: {  	_ =	swait.ge [sflag:s22], s20  }
0x9f: {  	s4 =	ssub.s32 $0x0, s20;
	[sflag:s22] =	ssyncset.done $0x0  }
0xa0: {  	[sflag:s22] =	ssyncadd.s32 s4;
	_ =	sdelay $0x1  }
0xa1: {  	s23 =	simm.s32 $0x1B8B  }
0xa2: {  	_ =	swait.ge [sflag:s23], $0x1  }
0xa3: {  	[sflag:s23] =	ssyncset.done $0x0  }
0xa4: {  	s25 =	simm.s32 $0x1B8E;
	s24 =	sld [smem:$0x3FFE];
	[sflag:s23] =	ssyncadd.s32 $0xFFFFFFFF  }
0xa5: {  	s26 =	simm.s32 $execute0_lowered;
	[smem:$0x3FD2] =	sst s25  }
0xa6: {  	s5 =	sshll.u32 s26, $0x1;
	_ =	strace $0x80000049;
	[dreg:$0x1] =	wrdreg $0xFFFFFFFF  }
0xa7: {  	s28 =	simm.s32 $_size_execute0_lowered;
	s3 =	sadd.s32 s3, s5;
	[dreg:$0x0] =	wrdreg $0x0  }
0xa8: {  	s5 =	sshll.u32 s28, $0x1;
	[dreg:$0x2] =	wrdreg s3  }
0xa9: {  	[dreg:$0x3] =	wrdreg s5  }
0xaa: {  	[dreg:$0x4] =	wrdreg $0xC0  }
0xab: {  	_ =	task [dreg:s7], $0x5FFFF  }
0xac: {  	[dreg:$0x1] =	wrdreg $0xFFFFFFFF  }
0xad: {  	[dreg:$0x0] =	wrdreg $0x60  }
0xae: {  	[dreg:$0x2] =	wrdreg s24  }
0xaf: {  	[dreg:$0x3] =	wrdreg s2  }
0xb0: {  	[dreg:$0x4] =	wrdreg $0x39200  }
0xb1: {  	[dreg:$0x5] =	wrdreg $0x9  }
0xb2: {  	_ =	task.clear_ibuf [dreg:s7], $0x6FFFF;
	_ =	strace $0x90000049  }
0xb3: {  	s29 =	simm.s32 $0x9;
	_ =	strace $0x8000004B  }
0xb4: {  	_ =	swait.ge [sflag:s29], $0x1  }
0xb5: {  	[sflag:s29] =	ssyncadd.s32 $0xFFFFFFFF  }
0xb6: {  	_ =	strace $0x9000004B  }
0xb7: {  	_ =	sfence  }
0xb8: {  	s30 =	sld [smem:$0x0];
	_ =	sdelay $0x2  }
0xb9: {  	s31 =	sshll.u32 s1, $0xD;
	s1 =	sshrl.u32 s1, $0x2  }
0xba: {  	s3 =	sand.u32 $0x4000, s31;
	s1 =	sadd.s32 s1, s30  }
0xbb: {  	s0 =	sor.u32 s3, s0;
	s1 =	sshll.u32 s1, $0x11  }
0xbc: {  	s0 =	sor.u32 s1, s0  }
0xbd: {  	s0 =	sadd.s32 $0x8F2B, s0  }
0xbe: {  	[sflag:s0] =	ssyncadd.remote.s32 $0x1  }
0xbf: {  	_ =	sfence.sel $0xFFFF  }
0xc0: {  	[dreg:$0x0] =	wrdreg $0xFFFFFFFF;
	(pc) =	sbr.abs _section_cstart, $3  }
0xc1: {  	[dreg:$0x1] =	wrdreg $0xFFFFFFFF  }
0xc2: {  	_ =	task.clear_ibuf [dreg:s7], $0x2FFFF;
	_ =	strace $0x9FFFFFFF  }
0xc3: {  	(tm) =	ssettm $0x7FFFFFFF  }
tec
execute0_lowered:
.L_overlay_start_1:
0x0: {  	(tag) =	ssettag $0x1  }
0x1: {  	s9 =	rddreg [dreg:$0x0]  }
0x2: {  	s1 =	rddreg [dreg:$0x1]  }
0x3: {  	s2 =	rddreg [dreg:$0x2]  }
0x4: {  	s0 =	rddreg [dreg:$0x3]  }
0x5: {  	s4 =	simm.s32 $0x0;
	v0 =	vimm.s32 $0xEFCDAB89;
	s5 =	srdreg.scid;
	s3 =	stileid.u32  }
0x6: {  	v1 =	vimm.s32 $0x67452301;
	v2 =	vimm.s32 $0xDCFE98BA;
	s17 =	simm.s32 $0x2100;
	s18 =	simm.s32 $0x2;
	s19 =	simm.s32 $0x3900  }
0x7: {  	v3 =	vimm.s32 $0x54761032;
	v4 =	vimm.s32 $0xBA98FEDC;
	v5 =	vimm.s32 $0x32107654;
	s20 =	simm.s32 $0x80;
	s21 =	simm.s32 $0x100;
	s22 =	simm.s32 $0x1  }
0x8: {  	v6 =	vimm.s32 $0xFEDCBA98;
	v7 =	vimm.s32 $0x76543210;
	s23 =	simm.s32 $0x1100;
	[smem:$0x7FF] =	sst s4;
	s12 =	sand.u32 $0x1, s5  }
0x9: {  	v0 =	vunpack.c.l.s4.s8 v0;
	s10 =	smul.u32 $0xF00, s3;
	v1 =	vunpack.c.l.s4.s8 v1;
	s5 =	sadd.s32 $0x21800, s9;
	s6 =	sadd.s32 $0x17800, s9;
	v2 =	vunpack.c.l.s4.s8 v2  }
0xa: {  	s7 =	sadd.s32 $0xD600, s9;
	s13 =	smul.u32 $0x1E000, s3;
	s8 =	sadd.s32 $0x3400, s9;
	v3 =	vunpack.c.l.s4.s8 v3;
	v4 =	vunpack.c.l.s4.s8 v4;
	v5 =	vunpack.c.l.s4.s8 v5  }
0xb: {  	s31 =	sshll.u32 s3, $0x1;
	v6 =	vunpack.c.l.s4.s8 v6;
	v7 =	vunpack.c.l.s4.s8 v7;
	s11 =	smul.u32 $0xF000, s12;
	s28 =	ssub.s32 $0x2, s12;
	v0 =	vunpack.c.0.s8.s32 v0  }
0xc: {  	_ =	strace $0x8000004A;
	s14 =	sor.u32 s12, s31;
	v1 =	vunpack.c.0.s8.s32 v1;
	s29 =	sshrl.u32 s28, $0x1;
	v2 =	vunpack.c.0.s8.s32 v2;
	v3 =	vunpack.c.0.s8.s32 v3  }
0xd: {  	s30 =	sshrl.u32 s13, $0x2;
	s14 =	smul.u32 $0x2880, s14;
	v4 =	vunpack.c.0.s8.s32 v4;
	v5 =	vunpack.c.0.s8.s32 v5;
	v6 =	vunpack.c.0.s8.s32 v6;
	s10 =	sadd.s32 s10, s11  }
0xe: {  	v7 =	vunpack.c.0.s8.s32 v7;
	s16 =	ssub.s32 s28, s29;
	s15 =	sadd.s32 s10, s9;
	s9 =	sadd.s32 s30, s2;
	v0 =	vcombine.low v1, v0  }
0xf: {  	s16 =	smax.u32 s16, $0x1;
	v1 =	vcombine.low v3, v2;
	v2 =	vcombine.low v5, v4;
	v4 =	vand.u32 $0xF, v6;
	s10 =	sadd.s32 $0x1800, s9;
	s11 =	sadd.s32 $0x3000, s9  }
0x10: {  	vm0 =	vmmov $0x1;
	v3 =	vimm.f32 $0.0e+00;
	s12 =	sadd.s32 $0x4800, s9;
	s13 =	sadd.s32 $0x6000, s9;
	s15 =	sadd.s32 $0x2B800, s15;
	v4 =	vcombine.low v4, v7  }
.LBB2_1:
0x11: {  	s24 =	simm.s32 $0xC0;
	s25 =	simm.s32 $0x0  }
.LBB2_2:
0x12: {  	p0 =	sne.s32 s24, $0x5F40;
	[tilespmem:s25+$0x2120] =	vst v3;
	s26 =	smov.u32 s24;
	s24 =	sadd.s32 $0xC0, s24  }
.Ltmp0:
0x13: {  	[tilespmem:s25+$0x2100] =	vst v3;
	(pc) =	sbr.rel @p0 .LBB2_2-.Ltmp0, $2  }
0x14: {  	[tilespmem:s25+$0x2110] =	vst v3;
	_ =	sdelay $0x2  }
0x15: {  	s25 =	sshra.s32 s26, $0x2  }
0x16: {  	[tilespmem:s25+$0x2120] =	vst v3  }
0x17: {  	[tilespmem:s25+$0x2100] =	vst v3  }
0x18: {  	[tilespmem:s25+$0x2110] =	vst v3  }
0x19: {  	[spmem:s9] =	stream.linear.scatter [tilespmem:s17], [sflag:$0x2], $0x1800, $0x38;
	[tilespmem:$0xB120] =	vst v63  }
0x1a: {  	_ =	swait.ge [sflag:s18], $0x1800  }
0x1b: {  	[sflag:s18] =	ssyncset.done $0x0  }
0x1c: {  	[sflag:s18] =	ssyncadd.s32 $0xFFFFE800  }
0x1d: {  	[spmem:s10] =	stream.linear.scatter [tilespmem:s17], [sflag:$0x2], $0x1800, $0x38;
	[tilespmem:$0xB120] =	vst v63  }
0x1e: {  	_ =	swait.ge [sflag:s18], $0x1800  }
0x1f: {  	[sflag:s18] =	ssyncset.done $0x0  }
0x20: {  	[sflag:s18] =	ssyncadd.s32 $0xFFFFE800  }
0x21: {  	[spmem:s11] =	stream.linear.scatter [tilespmem:s17], [sflag:$0x2], $0x1800, $0x38;
	[tilespmem:$0xB120] =	vst v63  }
0x22: {  	_ =	swait.ge [sflag:s18], $0x1800  }
0x23: {  	[sflag:s18] =	ssyncset.done $0x0  }
0x24: {  	[sflag:s18] =	ssyncadd.s32 $0xFFFFE800  }
0x25: {  	[spmem:s12] =	stream.linear.scatter [tilespmem:s17], [sflag:$0x2], $0x1800, $0x38;
	[tilespmem:$0xB120] =	vst v63  }
0x26: {  	_ =	swait.ge [sflag:s18], $0x1800  }
0x27: {  	[sflag:s18] =	ssyncset.done $0x0  }
0x28: {  	[sflag:s18] =	ssyncadd.s32 $0xFFFFE800  }
0x29: {  	[spmem:s13] =	stream.linear.scatter [tilespmem:s17], [sflag:$0x2], $0x1800, $0x38;
	[tilespmem:$0xB120] =	vst v63  }
0x2a: {  	_ =	swait.ge [sflag:s18], $0x1800  }
0x2b: {  	[sflag:s18] =	ssyncset.done $0x0  }
0x2c: {  	[sflag:s18] =	ssyncadd.s32 $0xFFFFE800  }
0x2d: {  	s24 =	simm.s32 $0x0;
	[bflag:$0x0] =	sbarrier.arrive $0xFFFF  }
0x2e: {  	[tilespmem:s19], [sflag:$0x2] =	stream.linear.gather [hbm4b:s1+s24], $0x20, $0x38;
	[tilespmem:$0xB120] =	vst v63  }
0x2f: {  	_ =	swait.ge [sflag:s18], $0x20  }
0x30: {  	[sflag:s18] =	ssyncset.done $0x0  }
0x31: {  	[sflag:s18] =	ssyncadd.s32 $0xFFFFFFE0  }
0x32: {  	v5 =	vld [tilespmem:$0x3900]  }
0x33: {  	s25 =	simm.s32 $0x0;
	v6 =	vld [tilespmem:$0x3910]  }
.LBB2_4:
0x34: {  	s26 =	sshll.u32 s25, $0x7  }
0x35: {  	s26 =	sadd.s32 s14, s26  }
0x36: {  	s26 =	sshrl.u32 s26, $0x3  }
0x37: {  	s28 =	sadd.s32 s7, s26  }
0x38: {  	[tilespmem:s24], [sflag:$0x2] =	stream.linear.gather [hbm4b:s28+s24], $0x80, $0x38;
	[tilespmem:$0xB120] =	vst v63  }
0x39: {  	_ =	swait.ge [sflag:s18], $0x80  }
0x3a: {  	[sflag:s18] =	ssyncset.done $0x0  }
0x3b: {  	s26 =	sadd.s32 s8, s26;
	[sflag:s18] =	ssyncadd.s32 $0xFFFFFF80  }
0x3c: {  	[tilespmem:s20], [sflag:$0x2] =	stream.linear.gather [hbm4b:s26+s24], $0x80, $0x38;
	[tilespmem:$0xB120] =	vst v63  }
0x3d: {  	_ =	swait.ge [sflag:s18], $0x80  }
0x3e: {  	[sflag:s18] =	ssyncset.done $0x0  }
0x3f: {  	[sflag:s18] =	ssyncadd.s32 $0xFFFFFF80  }
0x40: {  	[tilespmem:s21], [sflag:$0x1] =	stream.indirect.gather [hbm4b:s5+s20], $0x20, s24, s20, $0xb8;
	[tilespmem:$0xB120] =	vst v63  }
0x41: {  	_ =	swait.ge [sflag:s22], $0x1000  }
0x42: {  	[sflag:s22] =	ssyncset.done $0x0  }
0x43: {  	[sflag:s22] =	ssyncadd.s32 $0xFFFFF000  }
0x44: {  	[tilespmem:s23], [sflag:$0x1] =	stream.indirect.gather [hbm4b:s6+s20], $0x20, s20, s20, $0xb8;
	[tilespmem:$0xB120] =	vst v63  }
0x45: {  	_ =	swait.ge [sflag:s22], $0x1000  }
0x46: {  	[sflag:s22] =	ssyncset.done $0x0  }
0x47: {  	s31 =	simm.s32 $0x0;
	[sflag:s22] =	ssyncadd.s32 $0xFFFFF000  }
0x48: {  	v7 =	vld [tilespmem:s31+$0x110]  }
0x49: {  	v8 =	vld [tilespmem:s31+$0x100]  }
0x4a: {  	v9 =	vld [tilespmem:s31+$0x1100]  }
0x4b: {  	v10 =	vld [tilespmem:s31+$0x1110];
	_ =	sdelay $0x4  }
0x4c: {  	v9 =	vadd.f32 v9, v8;
	v10 =	vadd.f32 v10, v7;
	_ =	sdelay $0x1  }
0x4d: {  	v11 =	vmul.f32 $2.000000030e-01, v9;
	v12 =	vmul.f32 $2.000000030e-01, v10;
	_ =	sdelay $0x1  }
0x4e: {  	v9 =	vmax.f32 v9, v11;
	v10 =	vmax.f32 v10, v12  }
0x4f: {  	v9 =	vmul.f32 v9, v5;
	v10 =	vmul.f32 v10, v6;
	_ =	sdelay $0x1  }
0x50: {  	v9 =	vadd.f32 v10, v9;
	_ =	sdelay $0x1  }
0x51: {  	v10 =	vperm.xlane v9, v0;
	_ =	sdelay $0x1  }
0x52: {  	v9 =	vadd.f32 v9, v10;
	_ =	sdelay $0x1  }
0x53: {  	v10 =	vperm.xlane v9, v1;
	_ =	sdelay $0x1  }
0x54: {  	v9 =	vadd.f32 v9, v10;
	_ =	sdelay $0x1  }
0x55: {  	v10 =	vperm.xlane v9, v2;
	_ =	sdelay $0x1  }
0x56: {  	v9 =	vadd.f32 v9, v10;
	_ =	sdelay $0x1  }
0x57: {  	v10 =	vperm.xlane v9, v4;
	_ =	sdelay $0x1  }
0x58: {  	v9 =	vadd.f32 v9, v10;
	_ =	sdelay $0x1  }
0x59: {  	v9 =	vmul.f32 $1.442695020e+00, v9;
	_ =	sdelay $0x1  }
0x5a: {  	(erf) = vpow2.f32 v9;
	_ =	sdelay $0x8  }
0x5b: {  	v9 =	vpop (erf)  }
0x5c: {  	s26 =	simm.s32 $0x2120;
	v8 =	vmul.f32 v9, v8;
	v10 =	vnsel vm0, $0x0, v9  }
0x5d: {  	v7 =	vmul.f32 v9, v7;
	[tilespmem:s26+$0x0] =	vst v10  }
0x5e: {  	[tilespmem:s26+$0xFFFFFFE0] =	vst v8  }
0x5f: {  	s29 =	simm.s32 $0x20;
	[tilespmem:s26+$0xFFFFFFF0] =	vst v7  }
0x60: {  	v7 =	vld [tilespmem:s29+$0x110]  }
0x61: {  	v8 =	vld [tilespmem:s29+$0x100]  }
0x62: {  	s28 =	simm.s32 $0x100;
	v9 =	vld [tilespmem:s29+$0x1100]  }
.LBB2_5:
0x63: {  	p0 =	sne.s32 s28, $0x3F80;
	v10 =	vld [tilespmem:s29+$0x1110];
	_ =	sdelay $0x4  }
0x64: {  	v9 =	vadd.f32 v9, v8;
	v10 =	vadd.f32 v10, v7;
	_ =	sdelay $0x1  }
0x65: {  	v11 =	vmul.f32 $2.000000030e-01, v9;
	v12 =	vmul.f32 $2.000000030e-01, v10;
	_ =	sdelay $0x1  }
0x66: {  	v9 =	vmax.f32 v9, v11;
	v10 =	vmax.f32 v10, v12  }
0x67: {  	v9 =	vmul.f32 v9, v5;
	v10 =	vmul.f32 v10, v6;
	_ =	sdelay $0x1  }
0x68: {  	v9 =	vadd.f32 v10, v9;
	_ =	sdelay $0x1  }
0x69: {  	v10 =	vperm.xlane v9, v0;
	_ =	sdelay $0x1  }
0x6a: {  	v9 =	vadd.f32 v9, v10;
	_ =	sdelay $0x1  }
0x6b: {  	v10 =	vperm.xlane v9, v1;
	_ =	sdelay $0x1  }
0x6c: {  	v9 =	vadd.f32 v9, v10;
	_ =	sdelay $0x1  }
0x6d: {  	v10 =	vperm.xlane v9, v2;
	_ =	sdelay $0x1  }
0x6e: {  	v9 =	vadd.f32 v9, v10;
	_ =	sdelay $0x1  }
0x6f: {  	v10 =	vperm.xlane v9, v4;
	_ =	sdelay $0x1  }
0x70: {  	v9 =	vadd.f32 v9, v10;
	_ =	sdelay $0x1  }
0x71: {  	v9 =	vmul.f32 $1.442695020e+00, v9;
	_ =	sdelay $0x1  }
0x72: {  	(erf) = vpow2.f32 v9;
	_ =	sdelay $0x8  }
0x73: {  	v9 =	vpop (erf)  }
0x74: {  	s26 =	sadd.s32 $0x30, s26;
	v8 =	vmul.f32 v9, v8;
	v7 =	vmul.f32 v9, v7;
	v9 =	vnsel vm0, $0x0, v9  }
0x75: {  	[tilespmem:s26+$0x0] =	vst v9  }
.Ltmp1:
0x76: {  	[tilespmem:s26+$0xFFFFFFE0] =	vst v8;
	(pc) =	sbr.rel @p0 .LBB2_5-.Ltmp1, $4  }
0x77: {  	s29 =	sshra.s32 s28, $0x2;
	[tilespmem:s26+$0xFFFFFFF0] =	vst v7  }
0x78: {  	v7 =	vld [tilespmem:s29+$0x110]  }
0x79: {  	v8 =	vld [tilespmem:s29+$0x100]  }
0x7a: {  	s28 =	sadd.s32 $0x80, s28;
	v9 =	vld [tilespmem:s29+$0x1100]  }
0x7b: {  	v10 =	vld [tilespmem:s29+$0x1110];
	_ =	sdelay $0x4  }
0x7c: {  	v9 =	vadd.f32 v9, v8;
	v10 =	vadd.f32 v10, v7;
	_ =	sdelay $0x1  }
0x7d: {  	v11 =	vmul.f32 $2.000000030e-01, v9;
	v12 =	vmul.f32 $2.000000030e-01, v10;
	_ =	sdelay $0x1  }
0x7e: {  	v9 =	vmax.f32 v9, v11;
	v10 =	vmax.f32 v10, v12  }
0x7f: {  	v9 =	vmul.f32 v9, v5;
	v10 =	vmul.f32 v10, v6;
	_ =	sdelay $0x1  }
0x80: {  	v9 =	vadd.f32 v10, v9;
	_ =	sdelay $0x1  }
0x81: {  	v10 =	vperm.xlane v9, v0;
	_ =	sdelay $0x1  }
0x82: {  	v9 =	vadd.f32 v9, v10;
	_ =	sdelay $0x1  }
0x83: {  	v10 =	vperm.xlane v9, v1;
	_ =	sdelay $0x1  }
0x84: {  	v9 =	vadd.f32 v9, v10;
	_ =	sdelay $0x1  }
0x85: {  	v10 =	vperm.xlane v9, v2;
	_ =	sdelay $0x1  }
0x86: {  	v9 =	vadd.f32 v9, v10;
	_ =	sdelay $0x1  }
0x87: {  	v10 =	vperm.xlane v9, v4;
	_ =	sdelay $0x1  }
0x88: {  	v9 =	vadd.f32 v9, v10;
	_ =	sdelay $0x1  }
0x89: {  	v9 =	vmul.f32 $1.442695020e+00, v9;
	_ =	sdelay $0x1  }
0x8a: {  	(erf) = vpow2.f32 v9;
	_ =	sdelay $0x8  }
0x8b: {  	v9 =	vpop (erf)  }
0x8c: {  	s26 =	sadd.s32 $0x30, s26;
	v8 =	vmul.f32 v9, v8;
	v63 =	vnsel vm0, $0x0, v9  }
0x8d: {  	s25 =	sadd.s32 $0x1, s25;
	v7 =	vmul.f32 v9, v7;
	[tilespmem:s26+$0x0] =	vst v63  }
0x8e: {  	p0 =	sne.s32 s25, $0x51;
	[tilespmem:s26+$0xFFFFFFE0] =	vst v8  }
.Ltmp2:
0x8f: {  	[tilespmem:s26+$0xFFFFFFF0] =	vst v7;
	(pc) =	sbr.rel @p0 .LBB2_4-.Ltmp2, $4  }
0x90: {  	[spmem:s2] =	stream.indirect.scatter.add.f32 [tilespmem:s17], [sflag:$0x2], $0x30, s20, s20, $0xb8;
	[tilespmem:$0xB120] =	vst v63  }
0x91: {  	_ =	swait.ge [sflag:s18], $0x1800  }
0x92: {  	[sflag:s18] =	ssyncset.done $0x0  }
0x93: {  	[sflag:s18] =	ssyncadd.s32 $0xFFFFE800  }
0x94: {  	s4 =	sadd.s32 $0x1, s4  }
0x95: {  	s24 =	sshll.u32 s3, $0x6;
	[bflag:$0x0] =	sbarrier.arrive $0xFFFF;
	p0 =	sne.s32 s4, s16  }
.Ltmp3:
0x96: {  	s25 =	sshrl.u32 s9, $0x3;
	s24 =	sor.u32 $0x1C02, s24;
	(pc) =	sbr.rel @p0 .LBB2_1-.Ltmp3, $4  }
0x97: {  	[hbm:s15], [sflag:s24] =	dma.local [spmem:s25], $0xF00  }
0x98: {  	_ =	swait.ge [sflag:s18], $0xF00  }
0x99: {  	[sflag:s18] =	ssyncset.done $0x0  }
0x9a: {  	[sflag:s18] =	ssyncadd.s32 $0xFFFFF100  }
0x9b: {  	_ =	sfence.sel $0x180000  }
0x9c: {  	[bflag:$0x0] =	sbarrier.arrive $0xFFFF  }
0x9d: {  	p0 =	sne.s32 s3, $0x0;
	_ =	strace $0x9000004A  }
0x9e: {  	s0 =	sadd.s32 @!p0 $0x100000, s0;
	[bflag:$0x2] =	sbarrier.arrive $0xFFFF  }
0x9f: {  	[sflag:s0] =	ssyncadd.tile.s32 @!p0 $0x1;
	_ =	shalt  }
.Lfunc_end2:
_tile_overlayer_lowered:
.L_overlay_start_2:
0xa0: {  	(tag) =	ssettag $0x2  }
0xa1: {  	s0 =	rddreg [dreg:$0x0];
	s2 =	stileid.u32  }
0xa2: {  	s1 =	rddreg [dreg:$0x1];
	p0 =	sne.s32 s2, $0x0  }
0xa3: {  	s3 =	rddreg [dreg:$0x2];
	[bflag:$0x3] =	sbarrier.arrive $0xFFFF;
	s2 =	simm.s32 @!p0 $0x1C02  }
0xa4: {  	[timem:s3], [sflag:s2] =	dma.local @!p0 [hbm:s0], s1  }
0xa5: {  	s0 =	simm.s32 @!p0 $0x2  }
0xa6: {  	_ =	swait.ge @!p0 [sflag:s0], s1  }
0xa7: {  	s1 =	ssub.s32 @!p0 $0x0, s1;
	[sflag:s0] =	ssyncset.done @!p0 $0x0  }
0xa8: {  	[sflag:s0] =	ssyncadd.s32 @!p0 s1  }
0xa9: {  	[bflag:$0x3] =	sbarrier.arrive $0xFFFF  }
0xaa: {  	_ =	shalt  }

// kernel: kernel.7.cloned.1.call-start
scs
__scs_entry_jumppad:
0x0: {  	(pc) =	sbr.rel $0x88, $3  }
0x1: {  	(tag) =	ssettag $0x0;
	lr =	simm.s32 $0x1  }
0x2: {  	[smem:$0x3F89] =	sst lr;
	_ =	strace $0xD0000000  }
0x3: {  	_ = 	snop  }
0x4: {  	_ = 	snop  }
0x5: {  	_ = 	snop  }
0x6: {  	_ = 	snop  }
0x7: {  	_ = 	snop  }
__scs_overlays_trampoline_lowered:
0x8: {  	[smem:$0x3F98] =	sst s0  }
0x9: {  	[smem:$0x3F99] =	sst s1  }
0xa: {  	[smem:$0x3F9A] =	sst s2  }
0xb: {  	[smem:$0x3F9B] =	sst s3  }
0xc: {  	[smem:$0x3F9C] =	sst s4  }
0xd: {  	[smem:$0x3F9D] =	sst s5  }
0xe: {  	[smem:$0x3F9E] =	sst s6  }
0xf: {  	[smem:$0x3F9F] =	sst s7  }
0x10: {  	[smem:$0x3FA0] =	sst s8  }
0x11: {  	[smem:$0x3FA1] =	sst s9;
	s0 =	simm.s32 @!p0 $0x0  }
0x12: {  	s1 =	sld [smem:$0x3F87];
	s0 =	simm.s32 @p0 $0x1  }
0x13: {  	[smem:$0x3FA2] =	sst s0;
	s0 =	simm.s32 @!p1 $0x0  }
0x14: {  	s2 =	sld [smem:$0x3F86];
	s0 =	simm.s32 @p1 $0x1  }
0x15: {  	[smem:$0x3FA3] =	sst s0;
	s0 =	simm.s32 @!p2 $0x0  }
0x16: {  	s3 =	sld [smem:$0x3FDB];
	s0 =	simm.s32 @p2 $0x1  }
0x17: {  	s4 =	simm.s32 $0x1BF5;
	[smem:$0x3FA5] =	sst s0  }
0x18: {  	s0 =	sld [smem:$0x3F88];
	_ =	swait.ge [sflag:s4], $0x0  }
0x19: {  	s7 =	sld [smem:$0x3F89]  }
0x1a: {  	s8 =	sadd.s32 $0xFFFFE003, lr  }
0x1b: {  	s9 =	sadd.s32 $0xFFFFFEF7, lr;
	s5 =	simm.s32 $0xFFFFFFFF;
	p2 =	slt.u32 s8, $0xFFFFF086  }
0x1c: {  	p1 =	slt.u32 s9, $0xF7A;
	s5 =	simm.s32 @!p2 $0x0  }
0x1d: {  	s5 =	simm.s32 @p1 $0x1;
	p0 =	seq.s32 s7, s2  }
0x1e: {  	s7 =	smul.u32 @!p0 $0xF7A, s2;
	p2 =	seq.s32 @!p0 s5, $0x0  }
0x1f: {  	s9 =	smul.u32 $0xF7A, s1;
	s8 =	simm.s32 @!p0 $0x1BF5;
	p2 =	por !p2, p0  }
0x20: {  	[sflag:s8] =	ssyncset.s32 @!p0 $0xFFFFF086;
	s6 =	sadd.s32 @!p0 s3, s7;
	s7 =	simm.s32 @!p0 $0x108  }
0x21: {  	s3 =	sadd.s32 s3, s9;
	s6 =	sadd.s32 @!p0 $0x88, s6;
	s7 =	simm.s32 @p2 $0x1082  }
0x22: {  	[simem:s7], [sflag:s8] =	dma.local @!p0 [hbm:s6], $0xF7A  }
0x23: {  	s9 =	sor.u32 $0xD0000000, s2;
	s6 =	simm.s32 $0x108;
	_ =	swait.ge @!p0 [sflag:s8], $0x0  }
0x24: {  	s3 =	sadd.s32 $0x88, s3;
	s6 =	simm.s32 @!p1 $0x1082;
	[sflag:s4] =	ssyncset.s32 $0xFFFFF086  }
0x25: {  	[simem:s6], [sflag:s4] =	dma.local [hbm:s3], $0xF7A  }
0x26: {  	[smem:$0x3F89] =	sst s1;
	(tag) =	ssettag s2;
	_ =	strace s9  }
0x27: {  	s1 =	sld [smem:$0x3F99]  }
0x28: {  	s2 =	sld [smem:$0x3F9A]  }
0x29: {  	s4 =	sld [smem:$0x3F9C]  }
0x2a: {  	p0 =	seq.s32 s5, $0x0;
	s5 =	sld [smem:$0x3F9D]  }
0x2b: {  	s6 =	sld [smem:$0x3F9E]  }
0x2c: {  	s7 =	sld [smem:$0x3F9F]  }
0x2d: {  	s3 =	simm.s32 $0x108;
	s8 =	sld [smem:$0x3FA0]  }
0x2e: {  	s3 =	simm.s32 @!p0 $0x1082;
	s9 =	sld [smem:$0x3FA1]  }
0x2f: {  	lr =	sadd.s32 s0, s3;
	s0 =	sld [smem:$0x3F98]  }
0x30: {  	s3 =	sld [smem:$0x3F9B]  }
0x31: {  	[smem:$0x3FA4] =	sst s10  }
0x32: {  	s10 =	sld [smem:$0x3FA2];
	_ =	sdelay $0x3  }
0x33: {  	p0 =	seq.s32 s10, $0x1;
	s10 =	sld [smem:$0x3FA4];
	_ =	sdelay $0x3  }
0x34: {  	[smem:$0x3FA4] =	sst s10  }
0x35: {  	s10 =	sld [smem:$0x3FA3];
	_ =	sdelay $0x3  }
0x36: {  	p1 =	seq.s32 s10, $0x1;
	s10 =	sld [smem:$0x3FA4];
	_ =	sdelay $0x3  }
0x37: {  	[smem:$0x3FA4] =	sst s10  }
0x38: {  	s10 =	sld [smem:$0x3FA5]  }
0x39: {  	_ = 	snop;
	(pc) =	sbr.ind lr, $3  }
0x3a: {  	_ = 	snop  }
0x3b: {  	_ = 	snop  }
0x3c: {  	p2 =	seq.s32 s10, $0x1;
	s10 =	sld [smem:$0x3FA4]  }
0x3d: {  	_ =	shalt  }
0x3e: {  	_ =	shalt  }
0x3f: {  	_ =	shalt  }
0x40: {  	_ =	shalt  }
0x41: {  	_ =	shalt  }
0x42: {  	_ =	shalt  }
0x43: {  	_ =	shalt  }
0x44: {  	_ =	shalt  }
0x45: {  	_ =	shalt  }
0x46: {  	_ =	shalt  }
0x47: {  	_ =	shalt  }
0x48: {  	_ =	shalt  }
0x49: {  	_ =	shalt  }
0x4a: {  	_ =	shalt  }
0x4b: {  	_ =	shalt  }
0x4c: {  	_ =	shalt  }
0x4d: {  	_ =	shalt  }
0x4e: {  	_ =	shalt  }
0x4f: {  	_ =	shalt  }
0x50: {  	_ =	shalt  }
0x51: {  	_ =	shalt  }
0x52: {  	_ =	shalt  }
0x53: {  	_ =	shalt  }
0x54: {  	_ =	shalt  }
0x55: {  	_ =	shalt  }
0x56: {  	_ =	shalt  }
0x57: {  	_ =	shalt  }
0x58: {  	_ =	shalt  }
0x59: {  	_ =	shalt  }
0x5a: {  	_ =	shalt  }
0x5b: {  	_ =	shalt  }
0x5c: {  	_ =	shalt  }
0x5d: {  	_ =	shalt  }
0x5e: {  	_ =	shalt  }
0x5f: {  	_ =	shalt  }
0x60: {  	_ =	shalt  }
0x61: {  	_ =	shalt  }
0x62: {  	_ =	shalt  }
0x63: {  	_ =	shalt  }
0x64: {  	_ =	shalt  }
0x65: {  	_ =	shalt  }
0x66: {  	_ =	shalt  }
0x67: {  	_ =	shalt  }
0x68: {  	_ =	shalt  }
0x69: {  	_ =	shalt  }
0x6a: {  	_ =	shalt  }
0x6b: {  	_ =	shalt  }
0x6c: {  	_ =	shalt  }
0x6d: {  	_ =	shalt  }
0x6e: {  	_ =	shalt  }
0x6f: {  	_ =	shalt  }
0x70: {  	_ =	shalt  }
0x71: {  	_ =	shalt  }
0x72: {  	_ =	shalt  }
0x73: {  	_ =	shalt  }
0x74: {  	_ =	shalt  }
0x75: {  	_ =	shalt  }
0x76: {  	_ =	shalt  }
0x77: {  	_ =	shalt  }
0x78: {  	_ =	shalt  }
0x79: {  	_ =	shalt  }
0x7a: {  	_ =	shalt  }
0x7b: {  	_ =	shalt  }
0x7c: {  	_ =	shalt  }
0x7d: {  	_ =	shalt  }
0x7e: {  	_ =	shalt  }
0x7f: {  	_ =	shalt  }
0x80: {  	_ =	shalt  }
0x81: {  	_ =	shalt  }
0x82: {  	_ =	shalt  }
0x83: {  	_ =	shalt  }
0x84: {  	_ =	shalt  }
0x85: {  	_ =	shalt  }
0x86: {  	_ =	shalt  }
0x87: {  	_ =	shalt  }
.Lfunc_end0:
.L_simem_size_0:
called_computation_lowered:
.L_overlay_start_0:
0x88: {  	s2 =	sld [smem:$0x3FD9]  }
0x89: {  	s3 =	sld [smem:$0x3FFE];
	_ =	sdelay $0x1  }
0x8a: {  	s1 =	srdreg.scid  }
0x8b: {  	s0 =	sand.u32 $0x1, s1  }
0x8c: {  	s17 =	sshll.u32 s0, $0xA;
	s2 =	sadd.s32 s3, s2  }
0x8d: {  	s2 =	sadd.s32 s2, s17  }
0x8e: {  	[smem:$0x3FB0] =	sst s2  }
0x8f: {  	_ = 	snop  }
0x90: {  	s2 =	sld [smem:$0x3FC1];
	(tm) =	ssettm $0x1  }
0x91: {  	s18 =	sld [smem:$0x3FFB];
	_ =	sdelay $0x3  }
0x92: {  	_ =	strace s18  }
0x93: {  	s3 =	sld [smem:$0x3FFC];
	_ =	sdelay $0x3  }
0x94: {  	_ =	strace s3  }
0x95: {  	s3 =	sld [smem:$0x3FFD];
	_ =	sdelay $0x3  }
0x96: {  	_ =	strace s3  }
0x97: {  	_ =	strace $0x8FFFFFFF  }
0x98: {  	s19 =	sld [smem:$0x3FDB];
	_ =	sdelay $0x1  }
0x99: {  	s4 =	simm.s32 $_scs_section_size  }
0x9a: {  	s5 =	simm.s32 $_size__tile_overlayer_lowered;
	s6 =	simm.s32 $_tile_overlayer_lowered  }
0x9b: {  	s22 =	simm.s32 $0x1BFF;
	s21 =	sshll.u32 s6, $0x1;
	s3 =	sadd.s32 s4, s19  }
0x9c: {  	s7 =	simm.s32 $0x0;
	s20 =	sshll.u32 s5, $0x1;
	s5 =	sadd.s32 s21, s3  }
0x9d: {  	[timem:s7], [sflag:s22] =	dma.local [hbm:s5], s20  }
0x9e: {  	_ =	swait.ge [sflag:s22], s20  }
0x9f: {  	s4 =	ssub.s32 $0x0, s20;
	[sflag:s22] =	ssyncset.done $0x0  }
0xa0: {  	[sflag:s22] =	ssyncadd.s32 s4;
	_ =	sdelay $0x1  }
0xa1: {  	s23 =	simm.s32 $0x1B8B  }
0xa2: {  	_ =	swait.ge [sflag:s23], $0x1  }
0xa3: {  	[sflag:s23] =	ssyncset.done $0x0  }
0xa4: {  	s25 =	simm.s32 $0x1B8E;
	s24 =	sld [smem:$0x3FFE];
	[sflag:s23] =	ssyncadd.s32 $0xFFFFFFFF  }
0xa5: {  	s26 =	simm.s32 $execute0_lowered;
	[smem:$0x3FD2] =	sst s25  }
0xa6: {  	s5 =	sshll.u32 s26, $0x1;
	_ =	strace $0x80000046;
	[dreg:$0x1] =	wrdreg $0xFFFFFFFF  }
0xa7: {  	s28 =	simm.s32 $_size_execute0_lowered;
	s3 =	sadd.s32 s3, s5;
	[dreg:$0x0] =	wrdreg $0x0  }
0xa8: {  	s5 =	sshll.u32 s28, $0x1;
	[dreg:$0x2] =	wrdreg s3  }
0xa9: {  	[dreg:$0x3] =	wrdreg s5  }
0xaa: {  	[dreg:$0x4] =	wrdreg $0xC0  }
0xab: {  	_ =	task [dreg:s7], $0x5FFFF  }
0xac: {  	[dreg:$0x1] =	wrdreg $0xFFFFFFFF  }
0xad: {  	[dreg:$0x0] =	wrdreg $0x60  }
0xae: {  	[dreg:$0x2] =	wrdreg s24  }
0xaf: {  	[dreg:$0x3] =	wrdreg s2  }
0xb0: {  	[dreg:$0x4] =	wrdreg $0xCA000  }
0xb1: {  	[dreg:$0x5] =	wrdreg $0x9  }
0xb2: {  	_ =	task.clear_ibuf [dreg:s7], $0x6FFFF;
	_ =	strace $0x90000046  }
0xb3: {  	s29 =	simm.s32 $0x9;
	_ =	strace $0x80000048  }
0xb4: {  	_ =	swait.ge [sflag:s29], $0x1  }
0xb5: {  	[sflag:s29] =	ssyncadd.s32 $0xFFFFFFFF  }
0xb6: {  	_ =	strace $0x90000048  }
0xb7: {  	_ =	sfence  }
0xb8: {  	s30 =	sld [smem:$0x0];
	_ =	sdelay $0x2  }
0xb9: {  	s31 =	sshll.u32 s1, $0xD;
	s1 =	sshrl.u32 s1, $0x2  }
0xba: {  	s3 =	sand.u32 $0x4000, s31;
	s1 =	sadd.s32 s1, s30  }
0xbb: {  	s0 =	sor.u32 s3, s0;
	s1 =	sshll.u32 s1, $0x11  }
0xbc: {  	s0 =	sor.u32 s1, s0  }
0xbd: {  	s0 =	sadd.s32 $0x8F2B, s0  }
0xbe: {  	[sflag:s0] =	ssyncadd.remote.s32 $0x1  }
0xbf: {  	_ =	sfence.sel $0xFFFF  }
0xc0: {  	[dreg:$0x0] =	wrdreg $0xFFFFFFFF;
	(pc) =	sbr.abs _section_cstart, $3  }
0xc1: {  	[dreg:$0x1] =	wrdreg $0xFFFFFFFF  }
0xc2: {  	_ =	task.clear_ibuf [dreg:s7], $0x2FFFF;
	_ =	strace $0x9FFFFFFF  }
0xc3: {  	(tm) =	ssettm $0x7FFFFFFF  }
tec
execute0_lowered:
.L_overlay_start_1:
0x0: {  	(tag) =	ssettag $0x1  }
0x1: {  	s9 =	rddreg [dreg:$0x0]  }
0x2: {  	s1 =	rddreg [dreg:$0x1]  }
0x3: {  	s2 =	rddreg [dreg:$0x2]  }
0x4: {  	s0 =	rddreg [dreg:$0x3];
	v0 =	vimm.s32 $0xEFCDAB89;
	s4 =	simm.s32 $0x0  }
0x5: {  	s5 =	srdreg.scid;
	s3 =	stileid.u32;
	v1 =	vimm.s32 $0x67452301;
	v2 =	vimm.s32 $0xDCFE98BA;
	v3 =	vimm.s32 $0x54761032;
	s16 =	simm.s32 $0x2  }
0x6: {  	v4 =	vimm.s32 $0xBA98FEDC;
	v5 =	vimm.s32 $0x32107654;
	s18 =	simm.s32 $0x80;
	s19 =	simm.s32 $0x180;
	s20 =	simm.s32 $0x1  }
0x7: {  	v6 =	vimm.s32 $0xFEDCBA98;
	v7 =	vimm.s32 $0x76543210;
	s21 =	simm.s32 $0x4180;
	s22 =	simm.s32 $0x100;
	[smem:$0x7FF] =	sst s4  }
0x8: {  	v0 =	vunpack.c.l.s4.s8 v0;
	s13 =	sand.u32 $0x1, s5;
	s10 =	smul.u32 $0x1710, s3;
	v1 =	vunpack.c.l.s4.s8 v1;
	s5 =	sadd.s32 $0x17800, s9;
	v2 =	vunpack.c.l.s4.s8 v2  }
0x9: {  	s12 =	smul.u32 $0x2E200, s3;
	s6 =	sadd.s32 $0x3F800, s9;
	s7 =	sadd.s32 $0xD600, s9;
	v3 =	vunpack.c.l.s4.s8 v3;
	v4 =	vunpack.c.l.s4.s8 v4;
	v5 =	vunpack.c.l.s4.s8 v5  }
0xa: {  	s8 =	sadd.s32 $0x3400, s9;
	v6 =	vunpack.c.l.s4.s8 v6;
	v7 =	vunpack.c.l.s4.s8 v7;
	s11 =	smul.u32 $0x17100, s13;
	s30 =	ssub.s32 $0x2, s13;
	v0 =	vunpack.c.0.s8.s32 v0  }
0xb: {  	_ =	strace $0x80000047;
	s17 =	smul.u32 $0x1400, s13;
	v1 =	vunpack.c.0.s8.s32 v1;
	s31 =	sshrl.u32 s30, $0x1;
	v2 =	vunpack.c.0.s8.s32 v2;
	v3 =	vunpack.c.0.s8.s32 v3  }
0xc: {  	s12 =	sshrl.u32 s12, $0x2;
	v4 =	vunpack.c.0.s8.s32 v4;
	v5 =	vunpack.c.0.s8.s32 v5;
	v6 =	vunpack.c.0.s8.s32 v6;
	s10 =	sadd.s32 s10, s11;
	s15 =	ssub.s32 s30, s31  }
0xd: {  	v7 =	vunpack.c.0.s8.s32 v7;
	s11 =	smul.u32 $0x5100, s3;
	s14 =	sadd.s32 s10, s9;
	s9 =	sadd.s32 s12, s2;
	v0 =	vcombine.low v1, v0;
	v1 =	vcombine.low v3, v2  }
0xe: {  	v2 =	vmov s17;
	s17 =	simm.s32 $0xC980;
	v3 =	vcombine.low v5, v4;
	v5 =	vand.u32 $0xF, v6;
	s10 =	sadd.s32 $0x4800, s9;
	s12 =	sadd.s32 $0x9000, s9  }
0xf: {  	vm0 =	vmmov $0x1;
	v4 =	vimm.f32 $0.0e+00;
	s13 =	sadd.s32 $0x67800, s14;
	s14 =	smax.u32 s15, $0x1;
	s15 =	simm.s32 $0x8180;
	v5 =	vcombine.low v5, v7  }
.LBB2_1:
0x10: {  	s23 =	simm.s32 $0x0;
	s24 =	simm.s32 $0x240  }
.LBB2_2:
0x11: {  	p0 =	sne.s32 s24, $0x11DC0;
	[tilespmem:s23+$0x8200] =	vst v4  }
0x12: {  	[tilespmem:s23+$0x8180] =	vst v4  }
0x13: {  	[tilespmem:s23+$0x8190] =	vst v4  }
0x14: {  	[tilespmem:s23+$0x81A0] =	vst v4  }
.Ltmp0:
0x15: {  	[tilespmem:s23+$0x81B0] =	vst v4;
	(pc) =	sbr.rel @p0 .LBB2_2-.Ltmp0, $4  }
0x16: {  	[tilespmem:s23+$0x81C0] =	vst v4  }
0x17: {  	[tilespmem:s23+$0x81D0] =	vst v4  }
0x18: {  	[tilespmem:s23+$0x81E0] =	vst v4  }
0x19: {  	[tilespmem:s23+$0x81F0] =	vst v4;
	s23 =	sshra.s32 s24, $0x2;
	s24 =	sadd.s32 $0x240, s24  }
0x1a: {  	[tilespmem:s23+$0x8200] =	vst v4  }
0x1b: {  	[tilespmem:s23+$0x8180] =	vst v4  }
0x1c: {  	[tilespmem:s23+$0x8190] =	vst v4  }
0x1d: {  	[tilespmem:s23+$0x81A0] =	vst v4  }
0x1e: {  	[tilespmem:s23+$0x81B0] =	vst v4  }
0x1f: {  	[tilespmem:s23+$0x81C0] =	vst v4  }
0x20: {  	[tilespmem:s23+$0x81D0] =	vst v4  }
0x21: {  	[tilespmem:s23+$0x81E0] =	vst v4  }
0x22: {  	[tilespmem:s23+$0x81F0] =	vst v4  }
0x23: {  	[spmem:s9] =	stream.linear.scatter [tilespmem:s15], [sflag:$0x2], $0x4800, $0x38;
	[tilespmem:$0x18280] =	vst v63  }
0x24: {  	_ =	swait.ge [sflag:s16], $0x4800  }
0x25: {  	[sflag:s16] =	ssyncset.done $0x0  }
0x26: {  	[sflag:s16] =	ssyncadd.s32 $0xFFFFB800  }
0x27: {  	[spmem:s10] =	stream.linear.scatter [tilespmem:s15], [sflag:$0x2], $0x4800, $0x38;
	[tilespmem:$0x18280] =	vst v63  }
0x28: {  	_ =	swait.ge [sflag:s16], $0x4800  }
0x29: {  	[sflag:s16] =	ssyncset.done $0x0  }
0x2a: {  	[sflag:s16] =	ssyncadd.s32 $0xFFFFB800  }
0x2b: {  	[spmem:s12] =	stream.linear.scatter [tilespmem:s15], [sflag:$0x2], $0x2880, $0x38;
	[tilespmem:$0x18280] =	vst v63  }
0x2c: {  	_ =	swait.ge [sflag:s16], $0x2880  }
0x2d: {  	[sflag:s16] =	ssyncset.done $0x0  }
0x2e: {  	[sflag:s16] =	ssyncadd.s32 $0xFFFFD780  }
0x2f: {  	s23 =	simm.s32 $0x0;
	[bflag:$0x0] =	sbarrier.arrive $0xFFFF  }
0x30: {  	[tilespmem:s17], [sflag:$0x2] =	stream.linear.gather [hbm4b:s1+s23], $0x80, $0x38;
	[tilespmem:$0x18280] =	vst v63  }
0x31: {  	_ =	swait.ge [sflag:s16], $0x80  }
0x32: {  	[sflag:s16] =	ssyncset.done $0x0  }
0x33: {  	[sflag:s16] =	ssyncadd.s32 $0xFFFFFF80  }
0x34: {  	v6 =	vld [tilespmem:$0xC980]  }
0x35: {  	v7 =	vld [tilespmem:$0xC990]  }
0x36: {  	v8 =	vld [tilespmem:$0xC9A0]  }
0x37: {  	v9 =	vld [tilespmem:$0xC9B0]  }
0x38: {  	v10 =	vld [tilespmem:$0xC9C0]  }
0x39: {  	v11 =	vld [tilespmem:$0xC9D0]  }
0x3a: {  	v12 =	vld [tilespmem:$0xC9E0]  }
0x3b: {  	s24 =	simm.s32 $0x0;
	v13 =	vld [tilespmem:$0xC9F0]  }
.LBB2_4:
0x3c: {  	s25 =	sshll.u32 s24, $0x7  }
0x3d: {  	s25 =	sadd.s32 s11, s25  }
0x3e: {  	s25 =	sshrl.u32 s25, $0x3  }
0x3f: {  	s26 =	sadd.s32 s7, s25  }
0x40: {  	[tilespmem:s23], [sflag:$0x2] =	stream.linear.gather [hbm4b:s26+s23], $0x80, $0x38;
	[tilespmem:$0x18280] =	vst v63  }
0x41: {  	_ =	swait.ge [sflag:s16], $0x80  }
0x42: {  	[sflag:s16] =	ssyncset.done $0x0  }
0x43: {  	s25 =	sadd.s32 s8, s25;
	[sflag:s16] =	ssyncadd.s32 $0xFFFFFF80  }
0x44: {  	[tilespmem:s18], [sflag:$0x2] =	stream.linear.gather [hbm4b:s25+s23], $0x80, $0x38;
	[tilespmem:$0x18280] =	vst v63  }
0x45: {  	_ =	swait.ge [sflag:s16], $0x80  }
0x46: {  	[sflag:s16] =	ssyncset.done $0x0  }
0x47: {  	[sflag:s16] =	ssyncadd.s32 $0xFFFFFF80  }
0x48: {  	v14 =	vld [tilespmem:$0x80]  }
0x49: {  	v15 =	vld [tilespmem:$0x90]  }
0x4a: {  	v16 =	vld [tilespmem:$0xA0]  }
0x4b: {  	v17 =	vld [tilespmem:$0xB0]  }
0x4c: {  	v18 =	vld [tilespmem:$0xC0]  }
0x4d: {  	v19 =	vld [tilespmem:$0xD0];
	v14 =	vsub.s32 v14, v2  }
0x4e: {  	v20 =	vld [tilespmem:$0xE0];
	v15 =	vsub.s32 v15, v2;
	v14 =	vmin.u32 v14, $0x1400  }
0x4f: {  	[tilespmem:$0x100] =	vst v14;
	v14 =	vmin.u32 v15, $0x1400;
	v15 =	vsub.s32 v16, v2;
	v16 =	vld [tilespmem:$0xF0]  }
0x50: {  	[tilespmem:$0x110] =	vst v14;
	v14 =	vmin.u32 v15, $0x1400;
	v15 =	vsub.s32 v17, v2  }
0x51: {  	[tilespmem:$0x120] =	vst v14;
	v14 =	vmin.u32 v15, $0x1400;
	v15 =	vsub.s32 v18, v2  }
0x52: {  	[tilespmem:$0x130] =	vst v14;
	v14 =	vmin.u32 v15, $0x1400;
	v15 =	vsub.s32 v19, v2  }
0x53: {  	[tilespmem:$0x140] =	vst v14;
	v14 =	vmin.u32 v15, $0x1400;
	v15 =	vsub.s32 v20, v2  }
0x54: {  	[tilespmem:$0x150] =	vst v14;
	v14 =	vmin.u32 v15, $0x1400;
	v15 =	vsub.s32 v16, v2  }
0x55: {  	[tilespmem:$0x160] =	vst v14;
	v14 =	vmin.u32 v15, $0x1400  }
0x56: {  	[tilespmem:$0x170] =	vst v14  }
0x57: {  	[tilespmem:s19], [sflag:$0x1] =	stream.indirect.gather [hbm4b:s5+s18], $0x80, s23, s18, $0xb8;
	[tilespmem:$0x18280] =	vst v63  }
0x58: {  	_ =	swait.ge [sflag:s20], $0x4000  }
0x59: {  	[sflag:s20] =	ssyncset.done $0x0  }
0x5a: {  	[sflag:s20] =	ssyncadd.s32 $0xFFFFC000  }
0x5b: {  	[tilespmem:s21], [sflag:$0x1] =	stream.indirect.gather [hbm4b:s6+s18], $0x80, s18, s18, $0xb8;
	[tilespmem:$0x18280] =	vst v63  }
0x5c: {  	_ =	swait.ge [sflag:s20], $0x4000  }
0x5d: {  	[sflag:s20] =	ssyncset.done $0x0  }
0x5e: {  	s31 =	simm.s32 $0x0;
	[sflag:s20] =	ssyncadd.s32 $0xFFFFC000  }
0x5f: {  	v15 =	vld [tilespmem:s31+$0x4190]  }
0x60: {  	v17 =	vld [tilespmem:s31+$0x180]  }
0x61: {  	v14 =	vld [tilespmem:s31+$0x190]  }
0x62: {  	v18 =	vld [tilespmem:s31+$0x4180]  }
0x63: {  	v19 =	vld [tilespmem:s31+$0x41A0]  }
0x64: {  	v16 =	vld [tilespmem:s31+$0x1A0];
	_ =	sdelay $0x1  }
0x65: {  	v20 =	vld [tilespmem:s31+$0x41B0]  }
0x66: {  	v21 =	vadd.f32 v15, v14;
	v15 =	vld [tilespmem:s31+$0x1B0]  }
0x67: {  	v23 =	vld [tilespmem:s31+$0x41C0];
	v22 =	vadd.f32 v18, v17  }
0x68: {  	v18 =	vld [tilespmem:s31+$0x1C0];
	v26 =	vadd.f32 v19, v16  }
0x69: {  	v27 =	vld [tilespmem:s31+$0x41D0];
	v24 =	vmul.f32 $2.000000030e-01, v21;
	v25 =	vmul.f32 $2.000000030e-01, v22  }
0x6a: {  	v19 =	vld [tilespmem:s31+$0x1D0];
	v51 =	vmul.f32 $2.000000030e-01, v26  }
0x6b: {  	v28 =	vld [tilespmem:s31+$0x41E0];
	v21 =	vmax.f32 v21, v24;
	v22 =	vmax.f32 v22, v25;
	v52 =	vadd.f32 v20, v15  }
0x6c: {  	v22 =	vmul.f32 v22, v6;
	v21 =	vmul.f32 v21, v7;
	v20 =	vld [tilespmem:s31+$0x1E0]  }
0x6d: {  	v29 =	vld [tilespmem:s31+$0x41F0];
	v24 =	vmax.f32 v26, v51;
	v23 =	vadd.f32 v23, v18;
	v53 =	vmul.f32 $2.000000030e-01, v52  }
0x6e: {  	v24 =	vmul.f32 v24, v8;
	v22 =	vadd.f32 v21, v22;
	v21 =	vld [tilespmem:s31+$0x1F0]  }
0x6f: {  	v27 =	vadd.f32 v27, v19;
	v54 =	vmul.f32 $2.000000030e-01, v23;
	v25 =	vmax.f32 v52, v53  }
0x70: {  	v22 =	vadd.f32 v24, v22;
	v55 =	vmul.f32 v25, v9  }
0x71: {  	v56 =	vmul.f32 $2.000000030e-01, v27;
	v23 =	vmax.f32 v23, v54;
	v57 =	vadd.f32 v28, v20  }
0x72: {  	v23 =	vmul.f32 v23, v10;
	v22 =	vadd.f32 v55, v22  }
0x73: {  	v58 =	vmax.f32 v27, v56;
	v59 =	vmul.f32 $2.000000030e-01, v57;
	v60 =	vadd.f32 v29, v21  }
0x74: {  	v22 =	vadd.f32 v23, v22;
	v23 =	vmul.f32 v58, v11  }
0x75: {  	v61 =	vmax.f32 v57, v59;
	v62 =	vmul.f32 $2.000000030e-01, v60  }
0x76: {  	v22 =	vadd.f32 v23, v22;
	v23 =	vmul.f32 v61, v12  }
0x77: {  	v63 =	vmax.f32 v60, v62  }
0x78: {  	v22 =	vadd.f32 v23, v22;
	v23 =	vmul.f32 v63, v13;
	_ =	sdelay $0x1  }
0x79: {  	v22 =	vadd.f32 v23, v22;
	_ =	sdelay $0x1  }
0x7a: {  	v23 =	vperm.xlane v22, v0;
	_ =	sdelay $0x1  }
0x7b: {  	v22 =	vadd.f32 v22, v23;
	_ =	sdelay $0x1  }
0x7c: {  	v23 =	vperm.xlane v22, v1;
	_ =	sdelay $0x1  }
0x7d: {  	v22 =	vadd.f32 v22, v23;
	_ =	sdelay $0x1  }
0x7e: {  	v23 =	vperm.xlane v22, v3;
	_ =	sdelay $0x1  }
0x7f: {  	v22 =	vadd.f32 v22, v23;
	_ =	sdelay $0x1  }
0x80: {  	v23 =	vperm.xlane v22, v5;
	_ =	sdelay $0x1  }
0x81: {  	v22 =	vadd.f32 v22, v23;
	_ =	sdelay $0x1  }
0x82: {  	v22 =	vmul.f32 $1.442695020e+00, v22;
	_ =	sdelay $0x1  }
0x83: {  	s28 =	simm.s32 $0x200;
	s26 =	simm.s32 $0x81C0;
	s25 =	simm.s32 $0x81C0;
	(erf) = vpow2.f32 v22  }
.LBB2_5:
0x84: {  	_ =	sdelay $0x6  }
0x85: {  	p0 =	sne.s32 s28, $0xFE00  }
0x86: {  	s26 =	sadd.s32 $0x90, s26;
	s29 =	smov.u32 s28;
	s28 =	sadd.s32 $0x200, s28;
	v22 =	vpop (erf)  }
0x87: {  	v17 =	vmul.f32 v22, v17;
	v21 =	vmul.f32 v22, v21;
	v23 =	vnsel vm0, $0x0, v22  }
0x88: {  	v14 =	vmul.f32 v22, v14;
	v16 =	vmul.f32 v22, v16;
	[tilespmem:s25+$0x40] =	vst v23  }
0x89: {  	v15 =	vmul.f32 v22, v15;
	[tilespmem:s25+$0xFFFFFFC0] =	vst v17;
	v17 =	vmul.f32 v22, v20  }
0x8a: {  	[tilespmem:s25+$0xFFFFFFD0] =	vst v14;
	v14 =	vmul.f32 v22, v18;
	v18 =	vmul.f32 v22, v19  }
0x8b: {  	[tilespmem:s25+$0x30] =	vst v21  }
0x8c: {  	[tilespmem:s25+$0x20] =	vst v17  }
0x8d: {  	[tilespmem:s25+$0xFFFFFFE0] =	vst v16  }
0x8e: {  	[tilespmem:s25+$0x0] =	vst v14  }
0x8f: {  	[tilespmem:s25+$0x10] =	vst v18  }
0x90: {  	s29 =	sshra.s32 s29, $0x2;
	[tilespmem:s25+$0xFFFFFFF0] =	vst v15;
	s25 =	smov.u32 s26  }
0x91: {  	v15 =	vld [tilespmem:s29+$0x4190]  }
0x92: {  	v17 =	vld [tilespmem:s29+$0x180]  }
0x93: {  	v14 =	vld [tilespmem:s29+$0x190]  }
0x94: {  	v18 =	vld [tilespmem:s29+$0x4180]  }
0x95: {  	v19 =	vld [tilespmem:s29+$0x41A0]  }
0x96: {  	v16 =	vld [tilespmem:s29+$0x1A0]  }
0x97: {  	v20 =	vld [tilespmem:s29+$0x41B0]  }
0x98: {  	v21 =	vadd.f32 v15, v14;
	v15 =	vld [tilespmem:s29+$0x1B0]  }
0x99: {  	v22 =	vadd.f32 v18, v17;
	v23 =	vld [tilespmem:s29+$0x41C0]  }
0x9a: {  	v24 =	vmul.f32 $2.000000030e-01, v21;
	v18 =	vld [tilespmem:s29+$0x1C0]  }
0x9b: {  	v25 =	vmul.f32 $2.000000030e-01, v22;
	v26 =	vadd.f32 v19, v16;
	v27 =	vld [tilespmem:s29+$0x41D0]  }
0x9c: {  	v21 =	vmax.f32 v21, v24;
	v19 =	vld [tilespmem:s29+$0x1D0]  }
0x9d: {  	v22 =	vmax.f32 v22, v25;
	v24 =	vmul.f32 $2.000000030e-01, v26;
	v25 =	vadd.f32 v20, v15;
	v28 =	vld [tilespmem:s29+$0x41E0]  }
0x9e: {  	v21 =	vmul.f32 v21, v7;
	v22 =	vmul.f32 v22, v6;
	v20 =	vld [tilespmem:s29+$0x1E0]  }
0x9f: {  	v24 =	vmax.f32 v26, v24;
	v26 =	vmul.f32 $2.000000030e-01, v25;
	v23 =	vadd.f32 v23, v18;
	v29 =	vld [tilespmem:s29+$0x41F0]  }
0xa0: {  	v22 =	vadd.f32 v21, v22;
	v24 =	vmul.f32 v24, v8;
	v21 =	vld [tilespmem:s29+$0x1F0]  }
0xa1: {  	v25 =	vmax.f32 v25, v26;
	v26 =	vmul.f32 $2.000000030e-01, v23;
	v27 =	vadd.f32 v27, v19  }
0xa2: {  	v22 =	vadd.f32 v24, v22;
	v24 =	vmul.f32 v25, v9  }
0xa3: {  	v23 =	vmax.f32 v23, v26;
	v25 =	vmul.f32 $2.000000030e-01, v27;
	v26 =	vadd.f32 v28, v20  }
0xa4: {  	v22 =	vadd.f32 v24, v22;
	v23 =	vmul.f32 v23, v10  }
0xa5: {  	v24 =	vmax.f32 v27, v25;
	v25 =	vmul.f32 $2.000000030e-01, v26;
	v27 =	vadd.f32 v29, v21  }
0xa6: {  	v22 =	vadd.f32 v23, v22;
	v23 =	vmul.f32 v24, v11  }
0xa7: {  	v24 =	vmax.f32 v26, v25;
	v25 =	vmul.f32 $2.000000030e-01, v27  }
0xa8: {  	v22 =	vadd.f32 v23, v22;
	v23 =	vmul.f32 v24, v12  }
0xa9: {  	v24 =	vmax.f32 v27, v25  }
0xaa: {  	v22 =	vadd.f32 v23, v22;
	v23 =	vmul.f32 v24, v13;
	_ =	sdelay $0x1  }
0xab: {  	v22 =	vadd.f32 v23, v22;
	_ =	sdelay $0x1  }
0xac: {  	v23 =	vperm.xlane v22, v0;
	_ =	sdelay $0x1  }
0xad: {  	v22 =	vadd.f32 v22, v23;
	_ =	sdelay $0x1  }
0xae: {  	v23 =	vperm.xlane v22, v1;
	_ =	sdelay $0x1  }
0xaf: {  	v22 =	vadd.f32 v22, v23;
	_ =	sdelay $0x1  }
0xb0: {  	v23 =	vperm.xlane v22, v3;
	_ =	sdelay $0x1  }
0xb1: {  	v22 =	vadd.f32 v22, v23;
	_ =	sdelay $0x1  }
0xb2: {  	v23 =	vperm.xlane v22, v5;
	_ =	sdelay $0x1  }
.Ltmp1:
0xb3: {  	v22 =	vadd.f32 v22, v23;
	(pc) =	sbr.rel @p0 .LBB2_5-.Ltmp1, $3  }
0xb4: {  	_ = 	snop  }
0xb5: {  	v22 =	vmul.f32 $1.442695020e+00, v22;
	_ =	sdelay $0x1  }
0xb6: {  	(erf) = vpow2.f32 v22  }
0xb7: {  	_ =	sdelay $0x7  }
0xb8: {  	v22 =	vpop (erf)  }
0xb9: {  	v17 =	vmul.f32 v22, v17;
	v23 =	vnsel vm0, $0x0, v22  }
0xba: {  	v14 =	vmul.f32 v22, v14;
	[tilespmem:s25+$0x40] =	vst v23  }
0xbb: {  	v21 =	vmul.f32 v22, v21;
	[tilespmem:s25+$0xFFFFFFC0] =	vst v17  }
0xbc: {  	v61 =	vmul.f32 v22, v20;
	[tilespmem:s25+$0xFFFFFFD0] =	vst v14  }
0xbd: {  	v62 =	vmul.f32 v22, v18;
	[tilespmem:s25+$0x30] =	vst v21  }
0xbe: {  	v14 =	vmul.f32 v22, v16;
	[tilespmem:s25+$0x20] =	vst v61  }
0xbf: {  	v63 =	vmul.f32 v22, v19;
	[tilespmem:s25+$0x0] =	vst v62  }
0xc0: {  	s24 =	sadd.s32 $0x1, s24;
	[tilespmem:s25+$0xFFFFFFE0] =	vst v14;
	v14 =	vmul.f32 v22, v15  }
0xc1: {  	p0 =	sne.s32 s24, $0xA2;
	[tilespmem:s25+$0x10] =	vst v63  }
.Ltmp2:
0xc2: {  	[tilespmem:s25+$0xFFFFFFF0] =	vst v14;
	(pc) =	sbr.rel @p0 .LBB2_4-.Ltmp2, $4  }
0xc3: {  	[spmem:s2] =	stream.indirect.scatter.add.f32 [tilespmem:s15], [sflag:$0x2], $0x90, s22, s18, $0xb8;
	[tilespmem:$0x18280] =	vst v63  }
0xc4: {  	_ =	swait.ge [sflag:s16], $0x4800  }
0xc5: {  	[sflag:s16] =	ssyncset.done $0x0  }
0xc6: {  	[sflag:s16] =	ssyncadd.s32 $0xFFFFB800  }
0xc7: {  	s4 =	sadd.s32 $0x1, s4  }
0xc8: {  	s23 =	sshll.u32 s3, $0x6;
	[bflag:$0x0] =	sbarrier.arrive $0xFFFF;
	p0 =	sne.s32 s4, s14  }
.Ltmp3:
0xc9: {  	s24 =	sshrl.u32 s9, $0x3;
	s23 =	sor.u32 $0x1C02, s23;
	(pc) =	sbr.rel @p0 .LBB2_1-.Ltmp3, $4  }
0xca: {  	[hbm:s13], [sflag:s23] =	dma.local [spmem:s24], $0x1710  }
0xcb: {  	_ =	swait.ge [sflag:s16], $0x1710  }
0xcc: {  	[sflag:s16] =	ssyncset.done $0x0  }
0xcd: {  	[sflag:s16] =	ssyncadd.s32 $0xFFFFE8F0  }
0xce: {  	_ =	sfence.sel $0x180000  }
0xcf: {  	[bflag:$0x0] =	sbarrier.arrive $0xFFFF  }
0xd0: {  	p0 =	sne.s32 s3, $0x0;
	_ =	strace $0x90000047  }
0xd1: {  	s0 =	sadd.s32 @!p0 $0x100000, s0;
	[bflag:$0x2] =	sbarrier.arrive $0xFFFF  }
0xd2: {  	[sflag:s0] =	ssyncadd.tile.s32 @!p0 $0x1;
	_ =	shalt  }
.Lfunc_end2:
_tile_overlayer_lowered:
.L_overlay_start_2:
0xd3: {  	(tag) =	ssettag $0x2  }
0xd4: {  	s0 =	rddreg [dreg:$0x0];
	s2 =	stileid.u32  }
0xd5: {  	s1 =	rddreg [dreg:$0x1];
	p0 =	sne.s32 s2, $0x0  }
0xd6: {  	s3 =	rddreg [dreg:$0x2];
	[bflag:$0x3] =	sbarrier.arrive $0xFFFF;
	s2 =	simm.s32 @!p0 $0x1C02  }
0xd7: {  	[timem:s3], [sflag:s2] =	dma.local @!p0 [hbm:s0], s1  }
0xd8: {  	s0 =	simm.s32 @!p0 $0x2  }
0xd9: {  	_ =	swait.ge @!p0 [sflag:s0], s1  }
0xda: {  	s1 =	ssub.s32 @!p0 $0x0, s1;
	[sflag:s0] =	ssyncset.done @!p0 $0x0  }
0xdb: {  	[sflag:s0] =	ssyncadd.s32 @!p0 s1  }
0xdc: {  	[bflag:$0x3] =	sbarrier.arrive $0xFFFF  }
0xdd: {  	_ =	shalt  }

</sc_bundles>
